<compile_context>
chip_gen: v7x
topology: tpu7x:2x2x1
jax: 0.10.2.dev20260603
libtpu: 0.0.44.dev20260713+nightly
codegen_flags: <defaults>
</compile_context>

<pallas_src>
import functools

import jax
import jax.numpy as jnp
from jax import lax
from jax.experimental import pallas as pl
from jax.experimental.pallas import tpu as pltpu
from jax.experimental.pallas import tpu_sc as plsc

NC = 2
NS = 16
NW = NC * NS
CH = 128


def _sc_aggregate(n, n_pad, rows_per_tile, q0, q1, with_counts):
  out_type = [jax.ShapeDtypeStruct((NC, n_pad, 16), jnp.float32)]
  if with_counts:
    out_type.append(jax.ShapeDtypeStruct((NC, n_pad, 16), jnp.float32))

  assert q0 % CH == 0
  nj0 = q0 // CH
  nj1f = q1 // CH
  tail1 = q1 - nj1f * CH
  nj1 = nj1f + (1 if tail1 else 0)
  njmax = max(nj0, nj1)

  scratch = [
      pltpu.VMEM((njmax * CH,), jnp.int32),
      pltpu.VMEM((njmax, CH), jnp.int32),
      pltpu.VMEM((2, CH, 16), jnp.float32),
      pltpu.VMEM((CH, 16), jnp.float32),
      pltpu.VMEM_SHARED((n_pad, 16), jnp.float32),
      pltpu.VMEM_SHARED((n_pad, 16), jnp.float32),
      pltpu.VMEM_SHARED((n_pad, 16), jnp.float32),
      pltpu.SemaphoreType.DMA,
      pltpu.SemaphoreType.DMA,
  ]
  tab_rows = n_pad // NS

  def body(ei, table, zeros, ones, zfill, nfill, *rest):
    if with_counts:
      acc_out, cnt_out = rest[0], rest[1]
      srcb, dstb, rows2, onesb, acc_sh, cnt_sh, tab_sh, gsem, isem = rest[2:]
    else:
      acc_out = rest[0]
      srcb, dstb, rows2, onesb, acc_sh, cnt_sh, tab_sh, gsem, isem = rest[1:]
    cid = lax.axis_index("c")
    sid = lax.axis_index("s")
    rslice = pl.ds(sid * rows_per_tile, rows_per_tile)
    on_c0 = cid == 0
    base = jnp.where(on_c0, sid * q0, NS * q0 + sid * q1)
    nj = jnp.where(on_c0, nj0, nj1)

    pltpu.sync_copy(zeros, acc_sh.at[rslice])
    if with_counts:
      pltpu.sync_copy(zeros, cnt_sh.at[rslice])
      pltpu.sync_copy(ones, onesb)

    @pl.when(on_c0)
    def _():
      pltpu.sync_copy(ei.at[0, pl.ds(base, q0)], srcb.at[pl.ds(0, q0)])

    @pl.when(jnp.logical_not(on_c0))
    def _():
      pltpu.sync_copy(ei.at[0, pl.ds(base, q1)], srcb.at[pl.ds(0, q1)])
      if tail1:
        pltpu.sync_copy(zfill.at[pl.ds(0, CH - tail1)],
                        srcb.at[pl.ds(q1, CH - tail1)])

    def stage(j, carry):
      pltpu.async_copy(ei.at[1, pl.ds(base + j * CH, CH)], dstb.at[j], isem)
      return carry

    nfull = jnp.where(on_c0, nj0, nj1f)
    lax.fori_loop(0, nfull, stage, 0)

    @pl.when(jnp.logical_not(on_c0))
    def _():
      if tail1:
        pltpu.sync_copy(nfill, dstb.at[nj1f])
        pltpu.async_copy(ei.at[1, pl.ds(base + nj1f * CH, tail1)],
                         dstb.at[nj1f, pl.ds(0, tail1)], isem)

    def drain(j, carry):
      pltpu.make_async_copy(ei.at[1, pl.ds(base + j * CH, CH)], dstb.at[j],
                            isem).wait()
      return carry

    lax.fori_loop(0, nfull, drain, 0)

    @pl.when(jnp.logical_not(on_c0))
    def _():
      if tail1:
        pltpu.make_async_copy(ei.at[1, pl.ds(base + nj1f * CH, tail1)],
                              dstb.at[nj1f, pl.ds(0, tail1)], isem).wait()

    last_rows = n - (NS - 1) * tab_rows

    @pl.when(sid < NS - 1)
    def _():
      trs = pl.ds(sid * tab_rows, tab_rows)
      pltpu.sync_copy(table.at[trs], tab_sh.at[trs])

    @pl.when(sid == NS - 1)
    def _():
      trs = pl.ds((NS - 1) * tab_rows, last_rows)
      pltpu.sync_copy(table.at[trs], tab_sh.at[trs])

    plsc.subcore_barrier()

    pltpu.async_copy(tab_sh.at[srcb.at[pl.ds(0, CH)]], rows2.at[0], gsem)

    def step(j, carry):
      nxt = j + 1

      @pl.when(nxt < nj)
      def _():
        pltpu.async_copy(tab_sh.at[srcb.at[pl.ds(nxt * CH, CH)]],
                         rows2.at[nxt % 2], gsem)

      pltpu.make_async_copy(tab_sh.at[srcb.at[pl.ds(j * CH, CH)]],
                            rows2.at[j % 2], gsem).wait()
      pltpu.sync_copy(rows2.at[j % 2], acc_sh.at[dstb.at[j]], add=True)
      if with_counts:
        pltpu.sync_copy(onesb, cnt_sh.at[dstb.at[j]], add=True)
      return carry

    lax.fori_loop(0, nj, step, 0)
    plsc.subcore_barrier()

    pltpu.sync_copy(acc_sh.at[rslice], acc_out.at[cid, rslice])
    if with_counts:
      pltpu.sync_copy(cnt_sh.at[rslice], cnt_out.at[cid, rslice])

  mesh = plsc.VectorSubcoreMesh(core_axis_name="c", subcore_axis_name="s")
  return pl.kernel(body, out_type=out_type, mesh=mesh, scratch_types=scratch,
                   compiler_params=pltpu.CompilerParams(
                       use_tc_tiling_on_sc=False))


def _mm_kernel(xp_ref, wl_ref, wr_ref, yo_ref, zo_ref):
  xp = xp_ref[...]
  yo_ref[...] = jnp.dot(xp, wl_ref[...], preferred_element_type=jnp.float32)
  zo_ref[...] = jnp.dot(xp, wr_ref[...], preferred_element_type=jnp.float32)


def _h_kernel(m, acc_ref, cnt_ref, z0_ref, b0l_ref, g_ref, b_ref, mdiv_ref,
              o_ref):
  acc = acc_ref[0, :m, :] + acc_ref[1, :m, :]
  cnt = cnt_ref[0, :m, :] + cnt_ref[1, :m, :]
  agg = acc / jnp.maximum(cnt, 1.0)
  pre = agg + z0_ref[...] + b0l_ref[...]
  hr = jnp.maximum(pre, 0.0)
  mdiv = mdiv_ref[...]
  mu = jnp.dot(hr, mdiv, preferred_element_type=jnp.float32)
  d = hr - mu
  var = jnp.dot(d * d, mdiv, preferred_element_type=jnp.float32)
  o_ref[...] = d / jnp.sqrt(var + 1e-5) * g_ref[...] + b_ref[...]


def _out_kernel(m, acc_ref, cnt_ref, h_ref, wl_ref, wr_ref, b_ref, o_ref):
  acc = acc_ref[0, :m, :] + acc_ref[1, :m, :]
  cnt = cnt_ref[0, :m, :] + cnt_ref[1, :m, :]
  agg = acc / jnp.maximum(cnt, 1.0)
  o = (jnp.dot(agg, wl_ref[...], preferred_element_type=jnp.float32)
       + jnp.dot(h_ref[...], wr_ref[...], preferred_element_type=jnp.float32)
       + b_ref[...])
  o_ref[...] = o.reshape(o_ref.shape)


def kernel(x, edge_index, W0l, b0l, W0r, ln_g, ln_b, W1l, b1l, W1r):
  n, d_in = x.shape
  e = edge_index.shape[1]
  d_hid = W0l.shape[1]
  d_out = W1l.shape[1]

  rows_per_tile = (-(-(n + 8) // NS) + 7) // 8 * 8
  n_pad = NS * rows_per_tile

  per_tile = e // NS
  q0 = min(int(per_tile * 0.521) // CH * CH, per_tile)
  q1 = per_tile - q0
  assert q0 % 8 == 0 and q1 % 8 == 0 and NS * (q0 + q1) == e

  zeros = jnp.zeros((rows_per_tile, 16), jnp.float32)
  ones = jnp.ones((CH, 16), jnp.float32)
  zfill = jnp.zeros((CH,), jnp.int32)
  nfill = jnp.full((CH,), n, jnp.int32)

  pk = 128 // d_hid
  m = n // pk
  m_pad = n_pad // pk
  eye = jnp.eye(pk, dtype=jnp.float32)
  w0l_b = jnp.kron(eye, W0l)
  w0r_b = jnp.kron(eye, W0r)
  w1l_b = jnp.kron(eye, W1l)
  w1r_b = jnp.kron(eye, W1r)
  mdiv = jnp.kron(eye, jnp.full((d_hid, d_hid), 1.0 / d_hid, jnp.float32))
  b0l_t = jnp.tile(b0l, (1, pk))
  g_t = jnp.tile(ln_g, (1, pk))
  bt_t = jnp.tile(ln_b, (1, pk))
  b1l_t = jnp.tile(b1l, (1, pk))

  xp = x.reshape(m, pk * d_in)

  y0p, z0p = pl.pallas_call(
      _mm_kernel,
      out_shape=[jax.ShapeDtypeStruct((m, pk * d_hid), jnp.float32),
                 jax.ShapeDtypeStruct((m, pk * d_hid), jnp.float32)],
  )(xp, w0l_b, w0r_b)

  agg_fn = _sc_aggregate(n, n_pad, rows_per_tile, q0, q1, with_counts=True)
  acc0, cnt = agg_fn(edge_index, y0p.reshape(n, d_hid), zeros, ones, zfill,
                     nfill)
  acc0p = acc0.reshape(NC, m_pad, pk * d_hid)
  cntp = cnt.reshape(NC, m_pad, pk * d_hid)

  hp = pl.pallas_call(
      functools.partial(_h_kernel, m),
      out_shape=jax.ShapeDtypeStruct((m, pk * d_hid), jnp.float32),
  )(acc0p, cntp, z0p, b0l_t, g_t, bt_t, mdiv)

  agg_fn2 = _sc_aggregate(n, n_pad, rows_per_tile, q0, q1, with_counts=False)
  (acc1,) = agg_fn2(edge_index, hp.reshape(n, d_hid), zeros, ones, zfill,
                    nfill)
  acc1p = acc1.reshape(NC, m_pad, pk * d_hid)

  out = pl.pallas_call(
      functools.partial(_out_kernel, m),
      out_shape=jax.ShapeDtypeStruct((n, d_out), jnp.float32),
  )(acc1p, cntp, hp, w1l_b, w1r_b, b1l_t)
  return out

# --- scband reference (transcript-rebuilt; emitter-appended) ---
"""Pipeline reference for scband-sage-lr-84954453114989 (READ-ONLY COPY).

The authoritative reference and input builder live on the scoring server;
editing this copy changes nothing except your own understanding.
"""

import jax, jax.numpy as jnp
import numpy as np

N = 10000
E = 320000
D_IN = 128
D_HID = 16
D_OUT = 128


def setup_inputs(seed: int = 0) -> dict:
    key = jax.random.key(seed)
    ks = jax.random.split(key, 12)
    x = jax.random.normal(ks[0], (N, D_IN), dtype=jnp.float32)
    edge_index = jax.random.randint(ks[1], (2, E), 0, N, dtype=jnp.int32)
    s0 = 1.0 / np.sqrt(D_IN)
    s1 = 1.0 / np.sqrt(D_HID)
    W0l = jax.random.normal(ks[2], (D_IN, D_HID), dtype=jnp.float32) * s0
    b0l = jnp.zeros((D_HID,), dtype=jnp.float32)
    W0r = jax.random.normal(ks[3], (D_IN, D_HID), dtype=jnp.float32) * s0
    ln_g = jnp.ones((D_HID,), dtype=jnp.float32)
    ln_b = jnp.zeros((D_HID,), dtype=jnp.float32)
    W1l = jax.random.normal(ks[4], (D_HID, D_OUT), dtype=jnp.float32) * s1
    b1l = jnp.zeros((D_OUT,), dtype=jnp.float32)
    W1r = jax.random.normal(ks[5], (D_HID, D_OUT), dtype=jnp.float32) * s1
    return {"x": x, "edge_index": edge_index, "W0l": W0l, "b0l": b0l, "W0r": W0r,
            "ln_g": ln_g, "ln_b": ln_b, "W1l": W1l, "b1l": b1l, "W1r": W1r}


def _sage_conv(x, edge_index, Wl, bl, Wr):
    # mean-aggregate neighbor features (gather by src, scatter-mean by dst),
    # then out = lin_l(agg) + lin_r(x)
    src = edge_index[0]
    dst = edge_index[1]
    msgs = jnp.take(x, src, axis=0)
    agg_sum = jax.ops.segment_sum(msgs, dst, num_segments=N)
    cnt = jax.ops.segment_sum(jnp.ones((E,), dtype=x.dtype), dst, num_segments=N)
    agg = agg_sum / jnp.clip(cnt, 1.0)[:, None]
    return agg @ Wl + bl + x @ Wr


def _layer_norm(h, g, b, eps=1e-5):
    mu = jnp.mean(h, axis=-1, keepdims=True)
    var = jnp.mean((h - mu) ** 2, axis=-1, keepdims=True)
    return (h - mu) / jnp.sqrt(var + eps) * g + b


def reference(x, edge_index, W0l, b0l, W0r, ln_g, ln_b, W1l, b1l, W1r):
    # layer 0: SAGEConv -> ReLU -> LayerNorm (dropout is identity in eval mode)
    h = _sage_conv(x, edge_index, W0l, b0l, W0r)
    h = jax.nn.relu(h)
    h = _layer_norm(h, ln_g, ln_b)
    # final layer
    out = _sage_conv(h, edge_index, W1l, b1l, W1r)
    return out

if __name__ == "__main__":
    import jax
    _d = setup_inputs()
    print(jax.jit(kernel)(*tuple(_d.values())))

</pallas_src>

<mosaic_0001>
#map = affine_map<(d0, d1) -> (0, 0)>
#map1 = affine_map<(d0, d1) -> (0)>
#map2 = affine_map<(d0, d1) -> (0, 0, 0)>
module attributes {stable_mosaic.version = 14 : i64} {
  func.func @body(%arg0: i32, %arg1: i32, %arg2: memref<2x320000xi32, #tpu.memory_space<hbm>>, %arg3: memref<10000x16xf32, #tpu.memory_space<hbm>>, %arg4: memref<632x16xf32, #tpu.memory_space<hbm>>, %arg5: memref<128x16xf32, #tpu.memory_space<hbm>>, %arg6: memref<128xi32, #tpu.memory_space<hbm>>, %arg7: memref<128xi32, #tpu.memory_space<hbm>>, %arg8: memref<2x10112x16xf32, #tpu.memory_space<hbm>>, %arg9: memref<10368xi32, #tpu.memory_space<vmem>>, %arg10: memref<81x128xi32, #tpu.memory_space<vmem>>, %arg11: memref<2x128x16xf32, #tpu.memory_space<vmem>>, %arg12: memref<128x16xf32, #tpu.memory_space<vmem>>, %arg13: memref<10112x16xf32, #tpu.memory_space<vmem_shared>>, %arg14: memref<10112x16xf32, #tpu.memory_space<vmem_shared>>, %arg15: memref<10112x16xf32, #tpu.memory_space<vmem_shared>>, %arg16: memref<!tpu.dma_semaphore, #tpu.memory_space<semaphore_mem>>, %arg17: memref<!tpu.dma_semaphore, #tpu.memory_space<semaphore_mem>>) attributes {dimension_semantics = [#tpu.dimension_semantics<core_parallel>, #tpu.dimension_semantics<subcore_parallel>], iteration_bounds = array<i64: 2, 16>, scalar_prefetch = 0 : i64, scratch_operands = 9 : i64, tpu.core_type = #tpu.core_type<sc_vector_subcore>, window_params = [{transform_indices = #map}, {transform_indices = #map}, {transform_indices = #map}, {transform_indices = #map}, {transform_indices = #map1}, {transform_indices = #map1}, {transform_indices = #map2}]} {
    %mul3A = arith.constant 632 : i32
    %mul3A_0 = arith.muli %arg1, %mul3A : i32
    %eq3A = arith.constant 0 : i32
    %eq3A_1 = arith.cmpi eq, %arg0, %eq3A : i32
    %mul3A_2 = arith.constant 10368 : i32
    %mul3A_3 = arith.muli %arg1, %mul3A_2 : i32
    %mul3A_4 = arith.constant 9632 : i32
    %mul3A_5 = arith.muli %arg1, %mul3A_4 : i32
    %add3A = arith.constant 165888 : i32
    %add3A_6 = arith.addi %add3A, %mul3A_5 : i32
    %select_n3A = arith.select %eq3A_1, %mul3A_3, %add3A_6 : i32
    %jit3A = arith.constant 81 : i32
    %jit3A_7 = arith.constant 76 : i32
    %select_n3A_8 = arith.select %eq3A_1, %jit3A, %jit3A_7 : i32
    "tpu.region"() ({
      %run_scoped3A = tpu.sem_alloc : memref<!tpu.dma_semaphore, #tpu.memory_space<semaphore_mem>>
      %dma_start3A_75 = arith.constant 0 : i32
      %dma_start3A_76 = tpu.memref_slice %arg13[%mul3A_0, %dma_start3A_75] : memref<10112x16xf32, #tpu.memory_space<vmem_shared>> -> memref<632x16xf32, #tpu.memory_space<vmem_shared>>
      tpu.enqueue_dma source(%arg4 : memref<632x16xf32, #tpu.memory_space<hbm>>) target(%dma_start3A_76 : memref<632x16xf32, #tpu.memory_space<vmem_shared>>) target_semaphore(%run_scoped3A : memref<!tpu.dma_semaphore, #tpu.memory_space<semaphore_mem>>)
      %dma_wait3A = arith.constant 0 : i32
      %dma_wait3A_77 = tpu.memref_slice %arg13[%mul3A_0, %dma_wait3A] : memref<10112x16xf32, #tpu.memory_space<vmem_shared>> -> memref<632x16xf32, #tpu.memory_space<vmem_shared>>
      tpu.wait_dma2 semaphore(%run_scoped3A : memref<!tpu.dma_semaphore, #tpu.memory_space<semaphore_mem>>) src(%arg4 : memref<632x16xf32, #tpu.memory_space<hbm>>) dst(%dma_wait3A_77 : memref<632x16xf32, #tpu.memory_space<vmem_shared>>)
      tpu.yield
    }) : () -> ()
    %convert_element_type3A = arith.extui %eq3A_1 : i1 to i32
    %cond3A = arith.constant 0 : i32
    %cond3A_9 = arith.cmpi ne, %convert_element_type3A, %cond3A : i32
    scf.if %cond3A_9 {
      %run_scoped3A = arith.constant 0 : i32
      "tpu.region"() ({
        %run_scoped3A_75 = tpu.sem_alloc : memref<!tpu.dma_semaphore, #tpu.memory_space<semaphore_mem>>
        %dma_start3A_76 = arith.constant 0 : i32
        %dma_start3A_77 = tpu.memref_slice %arg9[%dma_start3A_76] : memref<10368xi32, #tpu.memory_space<vmem>> -> memref<10368xi32, #tpu.memory_space<vmem>>
        %dma_start3A_78 = tpu.memref_slice %arg2[%run_scoped3A, %select_n3A] : memref<2x320000xi32, #tpu.memory_space<hbm>> -> memref<1x10368xi32, #tpu.memory_space<hbm>>
        %dma_start3A_79 = tpu.memref_squeeze %dma_start3A_78 : memref<1x10368xi32, #tpu.memory_space<hbm>> -> memref<10368xi32, #tpu.memory_space<hbm>>
        %dma_start3A_80 = arith.constant 0 : i32
        %dma_start3A_81 = tpu.memref_slice %arg9[%dma_start3A_80] : memref<10368xi32, #tpu.memory_space<vmem>> -> memref<10368xi32, #tpu.memory_space<vmem>>
        %dma_start3A_82 = tpu.memref_slice %arg2[%run_scoped3A, %select_n3A] : memref<2x320000xi32, #tpu.memory_space<hbm>> -> memref<1x10368xi32, #tpu.memory_space<hbm>>
        %dma_start3A_83 = tpu.memref_squeeze %dma_start3A_82 : memref<1x10368xi32, #tpu.memory_space<hbm>> -> memref<10368xi32, #tpu.memory_space<hbm>>
        tpu.enqueue_dma source(%dma_start3A_83 : memref<10368xi32, #tpu.memory_space<hbm>>) target(%dma_start3A_81 : memref<10368xi32, #tpu.memory_space<vmem>>) target_semaphore(%run_scoped3A_75 : memref<!tpu.dma_semaphore, #tpu.memory_space<semaphore_mem>>)
        %dma_wait3A = arith.constant 0 : i32
        %dma_wait3A_84 = tpu.memref_slice %arg9[%dma_wait3A] : memref<10368xi32, #tpu.memory_space<vmem>> -> memref<10368xi32, #tpu.memory_space<vmem>>
        %dma_wait3A_85 = tpu.memref_slice %arg2[%run_scoped3A, %select_n3A] : memref<2x320000xi32, #tpu.memory_space<hbm>> -> memref<1x10368xi32, #tpu.memory_space<hbm>>
        %dma_wait3A_86 = tpu.memref_squeeze %dma_wait3A_85 : memref<1x10368xi32, #tpu.memory_space<hbm>> -> memref<10368xi32, #tpu.memory_space<hbm>>
        %dma_wait3A_87 = arith.constant 0 : i32
        %dma_wait3A_88 = tpu.memref_slice %arg9[%dma_wait3A_87] : memref<10368xi32, #tpu.memory_space<vmem>> -> memref<10368xi32, #tpu.memory_space<vmem>>
        %dma_wait3A_89 = tpu.memref_slice %arg2[%run_scoped3A, %select_n3A] : memref<2x320000xi32, #tpu.memory_space<hbm>> -> memref<1x10368xi32, #tpu.memory_space<hbm>>
        %dma_wait3A_90 = tpu.memref_squeeze %dma_wait3A_89 : memref<1x10368xi32, #tpu.memory_space<hbm>> -> memref<10368xi32, #tpu.memory_space<hbm>>
        tpu.wait_dma2 semaphore(%run_scoped3A_75 : memref<!tpu.dma_semaphore, #tpu.memory_space<semaphore_mem>>) src(%dma_wait3A_90 : memref<10368xi32, #tpu.memory_space<hbm>>) dst(%dma_wait3A_88 : memref<10368xi32, #tpu.memory_space<vmem>>)
        tpu.yield
      }) : () -> ()
    } else {
    }
    %not3A = arith.constant true
    %not3A_10 = arith.xori %eq3A_1, %not3A : i1
    %convert_element_type3A_11 = arith.extui %not3A_10 : i1 to i32
    %cond3A_12 = arith.constant 0 : i32
    %cond3A_13 = arith.cmpi ne, %convert_element_type3A_11, %cond3A_12 : i32
    scf.if %cond3A_13 {
      %run_scoped3A = arith.constant 0 : i32
      "tpu.region"() ({
        %run_scoped3A_75 = tpu.sem_alloc : memref<!tpu.dma_semaphore, #tpu.memory_space<semaphore_mem>>
        %dma_start3A_76 = arith.constant 0 : i32
        %dma_start3A_77 = tpu.memref_slice %arg9[%dma_start3A_76] : memref<10368xi32, #tpu.memory_space<vmem>> -> memref<9632xi32, #tpu.memory_space<vmem>>
        %dma_start3A_78 = tpu.memref_slice %arg2[%run_scoped3A, %select_n3A] : memref<2x320000xi32, #tpu.memory_space<hbm>> -> memref<1x9632xi32, #tpu.memory_space<hbm>>
        %dma_start3A_79 = tpu.memref_squeeze %dma_start3A_78 : memref<1x9632xi32, #tpu.memory_space<hbm>> -> memref<9632xi32, #tpu.memory_space<hbm>>
        %dma_start3A_80 = arith.constant 0 : i32
        %dma_start3A_81 = tpu.memref_slice %arg9[%dma_start3A_80] : memref<10368xi32, #tpu.memory_space<vmem>> -> memref<9632xi32, #tpu.memory_space<vmem>>
        %dma_start3A_82 = tpu.memref_slice %arg2[%run_scoped3A, %select_n3A] : memref<2x320000xi32, #tpu.memory_space<hbm>> -> memref<1x9632xi32, #tpu.memory_space<hbm>>
        %dma_start3A_83 = tpu.memref_squeeze %dma_start3A_82 : memref<1x9632xi32, #tpu.memory_space<hbm>> -> memref<9632xi32, #tpu.memory_space<hbm>>
        tpu.enqueue_dma source(%dma_start3A_83 : memref<9632xi32, #tpu.memory_space<hbm>>) target(%dma_start3A_81 : memref<9632xi32, #tpu.memory_space<vmem>>) target_semaphore(%run_scoped3A_75 : memref<!tpu.dma_semaphore, #tpu.memory_space<semaphore_mem>>)
        %dma_wait3A = arith.constant 0 : i32
        %dma_wait3A_84 = tpu.memref_slice %arg9[%dma_wait3A] : memref<10368xi32, #tpu.memory_space<vmem>> -> memref<9632xi32, #tpu.memory_space<vmem>>
        %dma_wait3A_85 = tpu.memref_slice %arg2[%run_scoped3A, %select_n3A] : memref<2x320000xi32, #tpu.memory_space<hbm>> -> memref<1x9632xi32, #tpu.memory_space<hbm>>
        %dma_wait3A_86 = tpu.memref_squeeze %dma_wait3A_85 : memref<1x9632xi32, #tpu.memory_space<hbm>> -> memref<9632xi32, #tpu.memory_space<hbm>>
        %dma_wait3A_87 = arith.constant 0 : i32
        %dma_wait3A_88 = tpu.memref_slice %arg9[%dma_wait3A_87] : memref<10368xi32, #tpu.memory_space<vmem>> -> memref<9632xi32, #tpu.memory_space<vmem>>
        %dma_wait3A_89 = tpu.memref_slice %arg2[%run_scoped3A, %select_n3A] : memref<2x320000xi32, #tpu.memory_space<hbm>> -> memref<1x9632xi32, #tpu.memory_space<hbm>>
        %dma_wait3A_90 = tpu.memref_squeeze %dma_wait3A_89 : memref<1x9632xi32, #tpu.memory_space<hbm>> -> memref<9632xi32, #tpu.memory_space<hbm>>
        tpu.wait_dma2 semaphore(%run_scoped3A_75 : memref<!tpu.dma_semaphore, #tpu.memory_space<semaphore_mem>>) src(%dma_wait3A_90 : memref<9632xi32, #tpu.memory_space<hbm>>) dst(%dma_wait3A_88 : memref<9632xi32, #tpu.memory_space<vmem>>)
        tpu.yield
      }) : () -> ()
      "tpu.region"() ({
        %run_scoped3A_75 = tpu.sem_alloc : memref<!tpu.dma_semaphore, #tpu.memory_space<semaphore_mem>>
        %dma_start3A_76 = arith.constant 9632 : i32
        %dma_start3A_77 = tpu.memref_slice %arg9[%dma_start3A_76] : memref<10368xi32, #tpu.memory_space<vmem>> -> memref<96xi32, #tpu.memory_space<vmem>>
        %dma_start3A_78 = arith.constant 0 : i32
        %dma_start3A_79 = tpu.memref_slice %arg6[%dma_start3A_78] : memref<128xi32, #tpu.memory_space<hbm>> -> memref<96xi32, #tpu.memory_space<hbm>>
        %dma_start3A_80 = arith.constant 9632 : i32
        %dma_start3A_81 = tpu.memref_slice %arg9[%dma_start3A_80] : memref<10368xi32, #tpu.memory_space<vmem>> -> memref<96xi32, #tpu.memory_space<vmem>>
        %dma_start3A_82 = arith.constant 0 : i32
        %dma_start3A_83 = tpu.memref_slice %arg6[%dma_start3A_82] : memref<128xi32, #tpu.memory_space<hbm>> -> memref<96xi32, #tpu.memory_space<hbm>>
        tpu.enqueue_dma source(%dma_start3A_83 : memref<96xi32, #tpu.memory_space<hbm>>) target(%dma_start3A_81 : memref<96xi32, #tpu.memory_space<vmem>>) target_semaphore(%run_scoped3A_75 : memref<!tpu.dma_semaphore, #tpu.memory_space<semaphore_mem>>)
        %dma_wait3A = arith.constant 9632 : i32
        %dma_wait3A_84 = tpu.memref_slice %arg9[%dma_wait3A] : memref<10368xi32, #tpu.memory_space<vmem>> -> memref<96xi32, #tpu.memory_space<vmem>>
        %dma_wait3A_85 = arith.constant 0 : i32
        %dma_wait3A_86 = tpu.memref_slice %arg6[%dma_wait3A_85] : memref<128xi32, #tpu.memory_space<hbm>> -> memref<96xi32, #tpu.memory_space<hbm>>
        %dma_wait3A_87 = arith.constant 9632 : i32
        %dma_wait3A_88 = tpu.memref_slice %arg9[%dma_wait3A_87] : memref<10368xi32, #tpu.memory_space<vmem>> -> memref<96xi32, #tpu.memory_space<vmem>>
        %dma_wait3A_89 = arith.constant 0 : i32
        %dma_wait3A_90 = tpu.memref_slice %arg6[%dma_wait3A_89] : memref<128xi32, #tpu.memory_space<hbm>> -> memref<96xi32, #tpu.memory_space<hbm>>
        tpu.wait_dma2 semaphore(%run_scoped3A_75 : memref<!tpu.dma_semaphore, #tpu.memory_space<semaphore_mem>>) src(%dma_wait3A_90 : memref<96xi32, #tpu.memory_space<hbm>>) dst(%dma_wait3A_88 : memref<96xi32, #tpu.memory_space<vmem>>)
        tpu.yield
      }) : () -> ()
    } else {
    }
    %jit3A_14 = arith.constant 81 : i32
    %jit3A_15 = arith.constant 75 : i32
    %select_n3A_16 = arith.select %eq3A_1, %jit3A_14, %jit3A_15 : i32
    %while3A = arith.constant 0 : i32
    %while3A_17 = arith.constant 0 : i32
    %while3A_18 = arith.subi %select_n3A_16, %while3A_17 : i32
    %while3A_19 = arith.addi %while3A_17, %while3A_18 : i32
    %while3A_20 = arith.constant 1 : i32
    %while3A_21 = arith.divsi %while3A_18, %while3A_20 : i32
    %while3A_22 = arith.muli %while3A_21, %while3A_20 : i32
    %while3A_23 = arith.addi %while3A_17, %while3A_22 : i32
    %while3A_24 = arith.constant 1 : i32
    scf.for %while3A_75 = %while3A_17 to %while3A_23 step %while3A_24  : i32 {
      %mul3A_76 = arith.constant 128 : i32
      %mul3A_77 = arith.muli %while3A_75, %mul3A_76 : i32
      %add3A_78 = arith.addi %select_n3A, %mul3A_77 : i32
      %dma_start3A_79 = arith.constant 1 : i32
      %dma_start3A_80 = arith.constant 0 : i32
      %dma_start3A_81 = tpu.memref_slice %arg10[%while3A_75, %dma_start3A_80] : memref<81x128xi32, #tpu.memory_space<vmem>> -> memref<1x128xi32, #tpu.memory_space<vmem>>
      %dma_start3A_82 = tpu.memref_squeeze %dma_start3A_81 : memref<1x128xi32, #tpu.memory_space<vmem>> -> memref<128xi32, #tpu.memory_space<vmem>>
      %dma_start3A_83 = tpu.memref_slice %arg2[%dma_start3A_79, %add3A_78] : memref<2x320000xi32, #tpu.memory_space<hbm>> -> memref<1x128xi32, #tpu.memory_space<hbm>>
      %dma_start3A_84 = tpu.memref_squeeze %dma_start3A_83 : memref<1x128xi32, #tpu.memory_space<hbm>> -> memref<128xi32, #tpu.memory_space<hbm>>
      %dma_start3A_85 = arith.constant 0 : i32
      %dma_start3A_86 = tpu.memref_slice %arg10[%while3A_75, %dma_start3A_85] : memref<81x128xi32, #tpu.memory_space<vmem>> -> memref<1x128xi32, #tpu.memory_space<vmem>>
      %dma_start3A_87 = tpu.memref_squeeze %dma_start3A_86 : memref<1x128xi32, #tpu.memory_space<vmem>> -> memref<128xi32, #tpu.memory_space<vmem>>
      %dma_start3A_88 = tpu.memref_slice %arg2[%dma_start3A_79, %add3A_78] : memref<2x320000xi32, #tpu.memory_space<hbm>> -> memref<1x128xi32, #tpu.memory_space<hbm>>
      %dma_start3A_89 = tpu.memref_squeeze %dma_start3A_88 : memref<1x128xi32, #tpu.memory_space<hbm>> -> memref<128xi32, #tpu.memory_space<hbm>>
      tpu.enqueue_dma source(%dma_start3A_89 : memref<128xi32, #tpu.memory_space<hbm>>) target(%dma_start3A_87 : memref<128xi32, #tpu.memory_space<vmem>>) target_semaphore(%arg17 : memref<!tpu.dma_semaphore, #tpu.memory_space<semaphore_mem>>)
    }
    %while3A_25 = arith.constant 1 : i32
    scf.for %while3A_75 = %while3A_23 to %while3A_19 step %while3A_25  : i32 {
      %mul3A_76 = arith.constant 128 : i32
      %mul3A_77 = arith.muli %while3A_75, %mul3A_76 : i32
      %add3A_78 = arith.addi %select_n3A, %mul3A_77 : i32
      %dma_start3A_79 = arith.constant 1 : i32
      %dma_start3A_80 = arith.constant 0 : i32
      %dma_start3A_81 = tpu.memref_slice %arg10[%while3A_75, %dma_start3A_80] : memref<81x128xi32, #tpu.memory_space<vmem>> -> memref<1x128xi32, #tpu.memory_space<vmem>>
      %dma_start3A_82 = tpu.memref_squeeze %dma_start3A_81 : memref<1x128xi32, #tpu.memory_space<vmem>> -> memref<128xi32, #tpu.memory_space<vmem>>
      %dma_start3A_83 = tpu.memref_slice %arg2[%dma_start3A_79, %add3A_78] : memref<2x320000xi32, #tpu.memory_space<hbm>> -> memref<1x128xi32, #tpu.memory_space<hbm>>
      %dma_start3A_84 = tpu.memref_squeeze %dma_start3A_83 : memref<1x128xi32, #tpu.memory_space<hbm>> -> memref<128xi32, #tpu.memory_space<hbm>>
      %dma_start3A_85 = arith.constant 0 : i32
      %dma_start3A_86 = tpu.memref_slice %arg10[%while3A_75, %dma_start3A_85] : memref<81x128xi32, #tpu.memory_space<vmem>> -> memref<1x128xi32, #tpu.memory_space<vmem>>
      %dma_start3A_87 = tpu.memref_squeeze %dma_start3A_86 : memref<1x128xi32, #tpu.memory_space<vmem>> -> memref<128xi32, #tpu.memory_space<vmem>>
      %dma_start3A_88 = tpu.memref_slice %arg2[%dma_start3A_79, %add3A_78] : memref<2x320000xi32, #tpu.memory_space<hbm>> -> memref<1x128xi32, #tpu.memory_space<hbm>>
      %dma_start3A_89 = tpu.memref_squeeze %dma_start3A_88 : memref<1x128xi32, #tpu.memory_space<hbm>> -> memref<128xi32, #tpu.memory_space<hbm>>
      tpu.enqueue_dma source(%dma_start3A_89 : memref<128xi32, #tpu.memory_space<hbm>>) target(%dma_start3A_87 : memref<128xi32, #tpu.memory_space<vmem>>) target_semaphore(%arg17 : memref<!tpu.dma_semaphore, #tpu.memory_space<semaphore_mem>>)
    }
    %not3A_26 = arith.constant true
    %not3A_27 = arith.xori %eq3A_1, %not3A_26 : i1
    %convert_element_type3A_28 = arith.extui %not3A_27 : i1 to i32
    %cond3A_29 = arith.constant 0 : i32
    %cond3A_30 = arith.cmpi ne, %convert_element_type3A_28, %cond3A_29 : i32
    scf.if %cond3A_30 {
      %run_scoped3A = arith.constant 75 : i32
      "tpu.region"() ({
        %run_scoped3A_89 = tpu.sem_alloc : memref<!tpu.dma_semaphore, #tpu.memory_space<semaphore_mem>>
        %dma_start3A_90 = arith.constant 0 : i32
        %dma_start3A_91 = tpu.memref_slice %arg10[%run_scoped3A, %dma_start3A_90] : memref<81x128xi32, #tpu.memory_space<vmem>> -> memref<1x128xi32, #tpu.memory_space<vmem>>
        %dma_start3A_92 = tpu.memref_squeeze %dma_start3A_91 : memref<1x128xi32, #tpu.memory_space<vmem>> -> memref<128xi32, #tpu.memory_space<vmem>>
        %dma_start3A_93 = arith.constant 0 : i32
        %dma_start3A_94 = tpu.memref_slice %arg10[%run_scoped3A, %dma_start3A_93] : memref<81x128xi32, #tpu.memory_space<vmem>> -> memref<1x128xi32, #tpu.memory_space<vmem>>
        %dma_start3A_95 = tpu.memref_squeeze %dma_start3A_94 : memref<1x128xi32, #tpu.memory_space<vmem>> -> memref<128xi32, #tpu.memory_space<vmem>>
        tpu.enqueue_dma source(%arg7 : memref<128xi32, #tpu.memory_space<hbm>>) target(%dma_start3A_95 : memref<128xi32, #tpu.memory_space<vmem>>) target_semaphore(%run_scoped3A_89 : memref<!tpu.dma_semaphore, #tpu.memory_space<semaphore_mem>>)
        %dma_wait3A = arith.constant 0 : i32
        %dma_wait3A_96 = tpu.memref_slice %arg10[%run_scoped3A, %dma_wait3A] : memref<81x128xi32, #tpu.memory_space<vmem>> -> memref<1x128xi32, #tpu.memory_space<vmem>>
        %dma_wait3A_97 = tpu.memref_squeeze %dma_wait3A_96 : memref<1x128xi32, #tpu.memory_space<vmem>> -> memref<128xi32, #tpu.memory_space<vmem>>
        %dma_wait3A_98 = arith.constant 0 : i32
        %dma_wait3A_99 = tpu.memref_slice %arg10[%run_scoped3A, %dma_wait3A_98] : memref<81x128xi32, #tpu.memory_space<vmem>> -> memref<1x128xi32, #tpu.memory_space<vmem>>
        %dma_wait3A_100 = tpu.memref_squeeze %dma_wait3A_99 : memref<1x128xi32, #tpu.memory_space<vmem>> -> memref<128xi32, #tpu.memory_space<vmem>>
        tpu.wait_dma2 semaphore(%run_scoped3A_89 : memref<!tpu.dma_semaphore, #tpu.memory_space<semaphore_mem>>) src(%arg7 : memref<128xi32, #tpu.memory_space<hbm>>) dst(%dma_wait3A_100 : memref<128xi32, #tpu.memory_space<vmem>>)
        tpu.yield
      }) : () -> ()
      %add3A_75 = arith.constant 9600 : i32
      %add3A_76 = arith.addi %select_n3A, %add3A_75 : i32
      %dma_start3A_77 = arith.constant 1 : i32
      %dma_start3A_78 = arith.constant 75 : i32
      %dma_start3A_79 = arith.constant 0 : i32
      %dma_start3A_80 = tpu.memref_slice %arg10[%dma_start3A_78, %dma_start3A_79] : memref<81x128xi32, #tpu.memory_space<vmem>> -> memref<1x32xi32, #tpu.memory_space<vmem>>
      %dma_start3A_81 = tpu.memref_squeeze %dma_start3A_80 : memref<1x32xi32, #tpu.memory_space<vmem>> -> memref<32xi32, #tpu.memory_space<vmem>>
      %dma_start3A_82 = tpu.memref_slice %arg2[%dma_start3A_77, %add3A_76] : memref<2x320000xi32, #tpu.memory_space<hbm>> -> memref<1x32xi32, #tpu.memory_space<hbm>>
      %dma_start3A_83 = tpu.memref_squeeze %dma_start3A_82 : memref<1x32xi32, #tpu.memory_space<hbm>> -> memref<32xi32, #tpu.memory_space<hbm>>
      %dma_start3A_84 = arith.constant 0 : i32
      %dma_start3A_85 = tpu.memref_slice %arg10[%dma_start3A_78, %dma_start3A_84] : memref<81x128xi32, #tpu.memory_space<vmem>> -> memref<1x32xi32, #tpu.memory_space<vmem>>
      %dma_start3A_86 = tpu.memref_squeeze %dma_start3A_85 : memref<1x32xi32, #tpu.memory_space<vmem>> -> memref<32xi32, #tpu.memory_space<vmem>>
      %dma_start3A_87 = tpu.memref_slice %arg2[%dma_start3A_77, %add3A_76] : memref<2x320000xi32, #tpu.memory_space<hbm>> -> memref<1x32xi32, #tpu.memory_space<hbm>>
      %dma_start3A_88 = tpu.memref_squeeze %dma_start3A_87 : memref<1x32xi32, #tpu.memory_space<hbm>> -> memref<32xi32, #tpu.memory_space<hbm>>
      tpu.enqueue_dma source(%dma_start3A_88 : memref<32xi32, #tpu.memory_space<hbm>>) target(%dma_start3A_86 : memref<32xi32, #tpu.memory_space<vmem>>) target_semaphore(%arg17 : memref<!tpu.dma_semaphore, #tpu.memory_space<semaphore_mem>>)
    } else {
    }
    %while3A_31 = arith.constant 0 : i32
    %while3A_32 = arith.constant 0 : i32
    %while3A_33 = arith.subi %select_n3A_16, %while3A_32 : i32
    %while3A_34 = arith.addi %while3A_32, %while3A_33 : i32
    %while3A_35 = arith.constant 1 : i32
    %while3A_36 = arith.divsi %while3A_33, %while3A_35 : i32
    %while3A_37 = arith.muli %while3A_36, %while3A_35 : i32
    %while3A_38 = arith.addi %while3A_32, %while3A_37 : i32
    %while3A_39 = arith.constant 1 : i32
    scf.for %while3A_75 = %while3A_32 to %while3A_38 step %while3A_39  : i32 {
      %mul3A_76 = arith.constant 128 : i32
      %mul3A_77 = arith.muli %while3A_75, %mul3A_76 : i32
      %add3A_78 = arith.addi %select_n3A, %mul3A_77 : i32
      %dma_wait3A = arith.constant 1 : i32
      %dma_wait3A_79 = arith.constant 0 : i32
      %dma_wait3A_80 = tpu.memref_slice %arg10[%while3A_75, %dma_wait3A_79] : memref<81x128xi32, #tpu.memory_space<vmem>> -> memref<1x128xi32, #tpu.memory_space<vmem>>
      %dma_wait3A_81 = tpu.memref_squeeze %dma_wait3A_80 : memref<1x128xi32, #tpu.memory_space<vmem>> -> memref<128xi32, #tpu.memory_space<vmem>>
      %dma_wait3A_82 = tpu.memref_slice %arg2[%dma_wait3A, %add3A_78] : memref<2x320000xi32, #tpu.memory_space<hbm>> -> memref<1x128xi32, #tpu.memory_space<hbm>>
      %dma_wait3A_83 = tpu.memref_squeeze %dma_wait3A_82 : memref<1x128xi32, #tpu.memory_space<hbm>> -> memref<128xi32, #tpu.memory_space<hbm>>
      %dma_wait3A_84 = arith.constant 0 : i32
      %dma_wait3A_85 = tpu.memref_slice %arg10[%while3A_75, %dma_wait3A_84] : memref<81x128xi32, #tpu.memory_space<vmem>> -> memref<1x128xi32, #tpu.memory_space<vmem>>
      %dma_wait3A_86 = tpu.memref_squeeze %dma_wait3A_85 : memref<1x128xi32, #tpu.memory_space<vmem>> -> memref<128xi32, #tpu.memory_space<vmem>>
      %dma_wait3A_87 = tpu.memref_slice %arg2[%dma_wait3A, %add3A_78] : memref<2x320000xi32, #tpu.memory_space<hbm>> -> memref<1x128xi32, #tpu.memory_space<hbm>>
      %dma_wait3A_88 = tpu.memref_squeeze %dma_wait3A_87 : memref<1x128xi32, #tpu.memory_space<hbm>> -> memref<128xi32, #tpu.memory_space<hbm>>
      tpu.wait_dma2 semaphore(%arg17 : memref<!tpu.dma_semaphore, #tpu.memory_space<semaphore_mem>>) src(%dma_wait3A_88 : memref<128xi32, #tpu.memory_space<hbm>>) dst(%dma_wait3A_86 : memref<128xi32, #tpu.memory_space<vmem>>)
    }
    %while3A_40 = arith.constant 1 : i32
    scf.for %while3A_75 = %while3A_38 to %while3A_34 step %while3A_40  : i32 {
      %mul3A_76 = arith.constant 128 : i32
      %mul3A_77 = arith.muli %while3A_75, %mul3A_76 : i32
      %add3A_78 = arith.addi %select_n3A, %mul3A_77 : i32
      %dma_wait3A = arith.constant 1 : i32
      %dma_wait3A_79 = arith.constant 0 : i32
      %dma_wait3A_80 = tpu.memref_slice %arg10[%while3A_75, %dma_wait3A_79] : memref<81x128xi32, #tpu.memory_space<vmem>> -> memref<1x128xi32, #tpu.memory_space<vmem>>
      %dma_wait3A_81 = tpu.memref_squeeze %dma_wait3A_80 : memref<1x128xi32, #tpu.memory_space<vmem>> -> memref<128xi32, #tpu.memory_space<vmem>>
      %dma_wait3A_82 = tpu.memref_slice %arg2[%dma_wait3A, %add3A_78] : memref<2x320000xi32, #tpu.memory_space<hbm>> -> memref<1x128xi32, #tpu.memory_space<hbm>>
      %dma_wait3A_83 = tpu.memref_squeeze %dma_wait3A_82 : memref<1x128xi32, #tpu.memory_space<hbm>> -> memref<128xi32, #tpu.memory_space<hbm>>
      %dma_wait3A_84 = arith.constant 0 : i32
      %dma_wait3A_85 = tpu.memref_slice %arg10[%while3A_75, %dma_wait3A_84] : memref<81x128xi32, #tpu.memory_space<vmem>> -> memref<1x128xi32, #tpu.memory_space<vmem>>
      %dma_wait3A_86 = tpu.memref_squeeze %dma_wait3A_85 : memref<1x128xi32, #tpu.memory_space<vmem>> -> memref<128xi32, #tpu.memory_space<vmem>>
      %dma_wait3A_87 = tpu.memref_slice %arg2[%dma_wait3A, %add3A_78] : memref<2x320000xi32, #tpu.memory_space<hbm>> -> memref<1x128xi32, #tpu.memory_space<hbm>>
      %dma_wait3A_88 = tpu.memref_squeeze %dma_wait3A_87 : memref<1x128xi32, #tpu.memory_space<hbm>> -> memref<128xi32, #tpu.memory_space<hbm>>
      tpu.wait_dma2 semaphore(%arg17 : memref<!tpu.dma_semaphore, #tpu.memory_space<semaphore_mem>>) src(%dma_wait3A_88 : memref<128xi32, #tpu.memory_space<hbm>>) dst(%dma_wait3A_86 : memref<128xi32, #tpu.memory_space<vmem>>)
    }
    %not3A_41 = arith.constant true
    %not3A_42 = arith.xori %eq3A_1, %not3A_41 : i1
    %convert_element_type3A_43 = arith.extui %not3A_42 : i1 to i32
    %cond3A_44 = arith.constant 0 : i32
    %cond3A_45 = arith.cmpi ne, %convert_element_type3A_43, %cond3A_44 : i32
    scf.if %cond3A_45 {
      %add3A_75 = arith.constant 9600 : i32
      %add3A_76 = arith.addi %select_n3A, %add3A_75 : i32
      %dma_wait3A = arith.constant 1 : i32
      %dma_wait3A_77 = arith.constant 75 : i32
      %dma_wait3A_78 = arith.constant 0 : i32
      %dma_wait3A_79 = tpu.memref_slice %arg10[%dma_wait3A_77, %dma_wait3A_78] : memref<81x128xi32, #tpu.memory_space<vmem>> -> memref<1x32xi32, #tpu.memory_space<vmem>>
      %dma_wait3A_80 = tpu.memref_squeeze %dma_wait3A_79 : memref<1x32xi32, #tpu.memory_space<vmem>> -> memref<32xi32, #tpu.memory_space<vmem>>
      %dma_wait3A_81 = tpu.memref_slice %arg2[%dma_wait3A, %add3A_76] : memref<2x320000xi32, #tpu.memory_space<hbm>> -> memref<1x32xi32, #tpu.memory_space<hbm>>
      %dma_wait3A_82 = tpu.memref_squeeze %dma_wait3A_81 : memref<1x32xi32, #tpu.memory_space<hbm>> -> memref<32xi32, #tpu.memory_space<hbm>>
      %dma_wait3A_83 = arith.constant 0 : i32
      %dma_wait3A_84 = tpu.memref_slice %arg10[%dma_wait3A_77, %dma_wait3A_83] : memref<81x128xi32, #tpu.memory_space<vmem>> -> memref<1x32xi32, #tpu.memory_space<vmem>>
      %dma_wait3A_85 = tpu.memref_squeeze %dma_wait3A_84 : memref<1x32xi32, #tpu.memory_space<vmem>> -> memref<32xi32, #tpu.memory_space<vmem>>
      %dma_wait3A_86 = tpu.memref_slice %arg2[%dma_wait3A, %add3A_76] : memref<2x320000xi32, #tpu.memory_space<hbm>> -> memref<1x32xi32, #tpu.memory_space<hbm>>
      %dma_wait3A_87 = tpu.memref_squeeze %dma_wait3A_86 : memref<1x32xi32, #tpu.memory_space<hbm>> -> memref<32xi32, #tpu.memory_space<hbm>>
      tpu.wait_dma2 semaphore(%arg17 : memref<!tpu.dma_semaphore, #tpu.memory_space<semaphore_mem>>) src(%dma_wait3A_87 : memref<32xi32, #tpu.memory_space<hbm>>) dst(%dma_wait3A_85 : memref<32xi32, #tpu.memory_space<vmem>>)
    } else {
    }
    %lt3A = arith.constant 15 : i32
    %lt3A_46 = arith.cmpi slt, %arg1, %lt3A : i32
    %convert_element_type3A_47 = arith.extui %lt3A_46 : i1 to i32
    %cond3A_48 = arith.constant 0 : i32
    %cond3A_49 = arith.cmpi ne, %convert_element_type3A_47, %cond3A_48 : i32
    scf.if %cond3A_49 {
      %mul3A_75 = arith.constant 632 : i32
      %mul3A_76 = arith.muli %arg1, %mul3A_75 : i32
      "tpu.region"() ({
        %run_scoped3A = tpu.sem_alloc : memref<!tpu.dma_semaphore, #tpu.memory_space<semaphore_mem>>
        %dma_start3A_77 = arith.constant 0 : i32
        %dma_start3A_78 = tpu.memref_slice %arg15[%mul3A_76, %dma_start3A_77] : memref<10112x16xf32, #tpu.memory_space<vmem_shared>> -> memref<632x16xf32, #tpu.memory_space<vmem_shared>>
        %dma_start3A_79 = arith.constant 0 : i32
        %dma_start3A_80 = tpu.memref_slice %arg3[%mul3A_76, %dma_start3A_79] : memref<10000x16xf32, #tpu.memory_space<hbm>> -> memref<632x16xf32, #tpu.memory_space<hbm>>
        tpu.enqueue_dma source(%dma_start3A_80 : memref<632x16xf32, #tpu.memory_space<hbm>>) target(%dma_start3A_78 : memref<632x16xf32, #tpu.memory_space<vmem_shared>>) target_semaphore(%run_scoped3A : memref<!tpu.dma_semaphore, #tpu.memory_space<semaphore_mem>>)
        %dma_wait3A = arith.constant 0 : i32
        %dma_wait3A_81 = tpu.memref_slice %arg15[%mul3A_76, %dma_wait3A] : memref<10112x16xf32, #tpu.memory_space<vmem_shared>> -> memref<632x16xf32, #tpu.memory_space<vmem_shared>>
        %dma_wait3A_82 = arith.constant 0 : i32
        %dma_wait3A_83 = tpu.memref_slice %arg3[%mul3A_76, %dma_wait3A_82] : memref<10000x16xf32, #tpu.memory_space<hbm>> -> memref<632x16xf32, #tpu.memory_space<hbm>>
        tpu.wait_dma2 semaphore(%run_scoped3A : memref<!tpu.dma_semaphore, #tpu.memory_space<semaphore_mem>>) src(%dma_wait3A_83 : memref<632x16xf32, #tpu.memory_space<hbm>>) dst(%dma_wait3A_81 : memref<632x16xf32, #tpu.memory_space<vmem_shared>>)
        tpu.yield
      }) : () -> ()
    } else {
    }
    %eq3A_50 = arith.constant 15 : i32
    %eq3A_51 = arith.cmpi eq, %arg1, %eq3A_50 : i32
    %convert_element_type3A_52 = arith.extui %eq3A_51 : i1 to i32
    %cond3A_53 = arith.constant 0 : i32
    %cond3A_54 = arith.cmpi ne, %convert_element_type3A_52, %cond3A_53 : i32
    scf.if %cond3A_54 {
      "tpu.region"() ({
        %run_scoped3A = tpu.sem_alloc : memref<!tpu.dma_semaphore, #tpu.memory_space<semaphore_mem>>
        %dma_start3A_75 = arith.constant 9480 : i32
        %dma_start3A_76 = arith.constant 0 : i32
        %dma_start3A_77 = tpu.memref_slice %arg15[%dma_start3A_75, %dma_start3A_76] : memref<10112x16xf32, #tpu.memory_space<vmem_shared>> -> memref<520x16xf32, #tpu.memory_space<vmem_shared>>
        %dma_start3A_78 = arith.constant 9480 : i32
        %dma_start3A_79 = arith.constant 0 : i32
        %dma_start3A_80 = tpu.memref_slice %arg3[%dma_start3A_78, %dma_start3A_79] : memref<10000x16xf32, #tpu.memory_space<hbm>> -> memref<520x16xf32, #tpu.memory_space<hbm>>
        tpu.enqueue_dma source(%dma_start3A_80 : memref<520x16xf32, #tpu.memory_space<hbm>>) target(%dma_start3A_77 : memref<520x16xf32, #tpu.memory_space<vmem_shared>>) target_semaphore(%run_scoped3A : memref<!tpu.dma_semaphore, #tpu.memory_space<semaphore_mem>>)
        %dma_wait3A = arith.constant 9480 : i32
        %dma_wait3A_81 = arith.constant 0 : i32
        %dma_wait3A_82 = tpu.memref_slice %arg15[%dma_wait3A, %dma_wait3A_81] : memref<10112x16xf32, #tpu.memory_space<vmem_shared>> -> memref<520x16xf32, #tpu.memory_space<vmem_shared>>
        %dma_wait3A_83 = arith.constant 9480 : i32
        %dma_wait3A_84 = arith.constant 0 : i32
        %dma_wait3A_85 = tpu.memref_slice %arg3[%dma_wait3A_83, %dma_wait3A_84] : memref<10000x16xf32, #tpu.memory_space<hbm>> -> memref<520x16xf32, #tpu.memory_space<hbm>>
        tpu.wait_dma2 semaphore(%run_scoped3A : memref<!tpu.dma_semaphore, #tpu.memory_space<semaphore_mem>>) src(%dma_wait3A_85 : memref<520x16xf32, #tpu.memory_space<hbm>>) dst(%dma_wait3A_82 : memref<520x16xf32, #tpu.memory_space<vmem_shared>>)
        tpu.yield
      }) : () -> ()
    } else {
    }
    %barrier3A = arith.constant 0 : index
    tpu.barrier barrier_id(%barrier3A)
    %dma_start3A = arith.constant 0 : i32
    %dma_start3A_55 = arith.constant 0 : i32
    %dma_start3A_56 = arith.constant 0 : i32
    %dma_start3A_57 = tpu.memref_slice %arg11[%dma_start3A, %dma_start3A_55, %dma_start3A_56] : memref<2x128x16xf32, #tpu.memory_space<vmem>> -> memref<1x128x16xf32, #tpu.memory_space<vmem>>
    %dma_start3A_58 = tpu.memref_squeeze %dma_start3A_57 : memref<1x128x16xf32, #tpu.memory_space<vmem>> -> memref<128x16xf32, #tpu.memory_space<vmem>>
    %dma_start3A_59 = arith.constant 0 : i32
    %dma_start3A_60 = tpu.memref_slice %arg9[%dma_start3A_59] : memref<10368xi32, #tpu.memory_space<vmem>> -> memref<128xi32, #tpu.memory_space<vmem>>
    %dma_start3A_61 = arith.constant 0 : i32
    %dma_start3A_62 = arith.constant 0 : i32
    %dma_start3A_63 = tpu.memref_slice %arg15[%dma_start3A_61, %dma_start3A_62] : memref<10112x16xf32, #tpu.memory_space<vmem_shared>> -> memref<10112x16xf32, #tpu.memory_space<vmem_shared>>
    tpu.enqueue_indirect_dma source(%dma_start3A_63 : memref<10112x16xf32, #tpu.memory_space<vmem_shared>>) target(%dma_start3A_58 : memref<128x16xf32, #tpu.memory_space<vmem>>) offsets(%dma_start3A_60 : memref<128xi32, #tpu.memory_space<vmem>>) semaphore(%arg16 : memref<!tpu.dma_semaphore, #tpu.memory_space<semaphore_mem>>)
    %while3A_64 = arith.constant 0 : i32
    %while3A_65 = arith.constant 0 : i32
    %while3A_66 = arith.subi %select_n3A_8, %while3A_65 : i32
    %while3A_67 = arith.addi %while3A_65, %while3A_66 : i32
    %while3A_68 = arith.constant 1 : i32
    %while3A_69 = arith.divsi %while3A_66, %while3A_68 : i32
    %while3A_70 = arith.muli %while3A_69, %while3A_68 : i32
    %while3A_71 = arith.addi %while3A_65, %while3A_70 : i32
    %while3A_72 = arith.constant 1 : i32
    scf.for %while3A_75 = %while3A_65 to %while3A_71 step %while3A_72  : i32 {
      %add3A_76 = arith.constant 1 : i32
      %add3A_77 = arith.addi %while3A_75, %add3A_76 : i32
      %lt3A_78 = arith.cmpi slt, %add3A_77, %select_n3A_8 : i32
      %convert_element_type3A_79 = arith.extui %lt3A_78 : i1 to i32
      %cond3A_80 = arith.constant 0 : i32
      %cond3A_81 = arith.cmpi ne, %convert_element_type3A_79, %cond3A_80 : i32
      scf.if %cond3A_81 {
        %mul3A_120 = arith.constant 128 : i32
        %mul3A_121 = arith.muli %add3A_77, %mul3A_120 : i32
        %jit3A_122 = arith.constant 2 : i32
        %eq3A_123 = arith.constant 0 : i32
        %eq3A_124 = arith.cmpi eq, %jit3A_122, %eq3A_123 : i32
        %jit3A_125 = arith.constant 1 : i32
        %select_n3A_126 = arith.select %eq3A_124, %jit3A_125, %jit3A_122 : i32
        %rem3A_127 = arith.remsi %add3A_77, %select_n3A_126 : i32
        %ne3A_128 = arith.constant 0 : i32
        %ne3A_129 = arith.cmpi ne, %rem3A_127, %ne3A_128 : i32
        %lt3A_130 = arith.constant 0 : i32
        %lt3A_131 = arith.cmpi slt, %rem3A_127, %lt3A_130 : i32
        %lt3A_132 = arith.constant 0 : i32
        %lt3A_133 = arith.cmpi slt, %select_n3A_126, %lt3A_132 : i32
        %ne3A_134 = arith.xori %lt3A_131, %lt3A_133 : i1
        %and3A_135 = arith.andi %ne3A_134, %ne3A_129 : i1
        %add3A_136 = arith.addi %rem3A_127, %select_n3A_126 : i32
        %select_n3A_137 = arith.select %and3A_135, %add3A_136, %rem3A_127 : i32
        %dma_start3A_138 = arith.constant 0 : i32
        %dma_start3A_139 = arith.constant 0 : i32
        %dma_start3A_140 = tpu.memref_slice %arg11[%select_n3A_137, %dma_start3A_138, %dma_start3A_139] : memref<2x128x16xf32, #tpu.memory_space<vmem>> -> memref<1x128x16xf32, #tpu.memory_space<vmem>>
        %dma_start3A_141 = tpu.memref_squeeze %dma_start3A_140 : memref<1x128x16xf32, #tpu.memory_space<vmem>> -> memref<128x16xf32, #tpu.memory_space<vmem>>
        %dma_start3A_142 = tpu.memref_slice %arg9[%mul3A_121] : memref<10368xi32, #tpu.memory_space<vmem>> -> memref<128xi32, #tpu.memory_space<vmem>>
        %dma_start3A_143 = arith.constant 0 : i32
        %dma_start3A_144 = arith.constant 0 : i32
        %dma_start3A_145 = tpu.memref_slice %arg15[%dma_start3A_143, %dma_start3A_144] : memref<10112x16xf32, #tpu.memory_space<vmem_shared>> -> memref<10112x16xf32, #tpu.memory_space<vmem_shared>>
        tpu.enqueue_indirect_dma source(%dma_start3A_145 : memref<10112x16xf32, #tpu.memory_space<vmem_shared>>) target(%dma_start3A_141 : memref<128x16xf32, #tpu.memory_space<vmem>>) offsets(%dma_start3A_142 : memref<128xi32, #tpu.memory_space<vmem>>) semaphore(%arg16 : memref<!tpu.dma_semaphore, #tpu.memory_space<semaphore_mem>>)
      } else {
      }
      %mul3A_82 = arith.constant 128 : i32
      %mul3A_83 = arith.muli %while3A_75, %mul3A_82 : i32
      %jit3A_84 = arith.constant 2 : i32
      %eq3A_85 = arith.constant 0 : i32
      %eq3A_86 = arith.cmpi eq, %jit3A_84, %eq3A_85 : i32
      %jit3A_87 = arith.constant 1 : i32
      %select_n3A_88 = arith.select %eq3A_86, %jit3A_87, %jit3A_84 : i32
      %rem3A = arith.remsi %while3A_75, %select_n3A_88 : i32
      %ne3A = arith.constant 0 : i32
      %ne3A_89 = arith.cmpi ne, %rem3A, %ne3A : i32
      %lt3A_90 = arith.constant 0 : i32
      %lt3A_91 = arith.cmpi slt, %rem3A, %lt3A_90 : i32
      %lt3A_92 = arith.constant 0 : i32
      %lt3A_93 = arith.cmpi slt, %select_n3A_88, %lt3A_92 : i32
      %ne3A_94 = arith.xori %lt3A_91, %lt3A_93 : i1
      %and3A = arith.andi %ne3A_94, %ne3A_89 : i1
      %add3A_95 = arith.addi %rem3A, %select_n3A_88 : i32
      %select_n3A_96 = arith.select %and3A, %add3A_95, %rem3A : i32
      %dma_wait3A = arith.constant 0 : i32
      %dma_wait3A_97 = arith.constant 0 : i32
      %dma_wait3A_98 = tpu.memref_slice %arg11[%select_n3A_96, %dma_wait3A, %dma_wait3A_97] : memref<2x128x16xf32, #tpu.memory_space<vmem>> -> memref<1x128x16xf32, #tpu.memory_space<vmem>>
      %dma_wait3A_99 = tpu.memref_squeeze %dma_wait3A_98 : memref<1x128x16xf32, #tpu.memory_space<vmem>> -> memref<128x16xf32, #tpu.memory_space<vmem>>
      %dma_wait3A_100 = tpu.memref_slice %arg9[%mul3A_83] : memref<10368xi32, #tpu.memory_space<vmem>> -> memref<128xi32, #tpu.memory_space<vmem>>
      %dma_wait3A_101 = arith.constant 0 : i32
      %dma_wait3A_102 = arith.constant 0 : i32
      %dma_wait3A_103 = tpu.memref_slice %arg15[%dma_wait3A_101, %dma_wait3A_102] : memref<10112x16xf32, #tpu.memory_space<vmem_shared>> -> memref<10112x16xf32, #tpu.memory_space<vmem_shared>>
      tpu.wait_indirect_dma semaphore(%arg16 : memref<!tpu.dma_semaphore, #tpu.memory_space<semaphore_mem>>) src(%dma_wait3A_103 : memref<10112x16xf32, #tpu.memory_space<vmem_shared>>) dst(%dma_wait3A_99 : memref<128x16xf32, #tpu.memory_space<vmem>>)
      %jit3A_104 = arith.constant 2 : i32
      %eq3A_105 = arith.constant 0 : i32
      %eq3A_106 = arith.cmpi eq, %jit3A_104, %eq3A_105 : i32
      %jit3A_107 = arith.constant 1 : i32
      %select_n3A_108 = arith.select %eq3A_106, %jit3A_107, %jit3A_104 : i32
      %rem3A_109 = arith.remsi %while3A_75, %select_n3A_108 : i32
      %ne3A_110 = arith.constant 0 : i32
      %ne3A_111 = arith.cmpi ne, %rem3A_109, %ne3A_110 : i32
      %lt3A_112 = arith.constant 0 : i32
      %lt3A_113 = arith.cmpi slt, %rem3A_109, %lt3A_112 : i32
      %lt3A_114 = arith.constant 0 : i32
      %lt3A_115 = arith.cmpi slt, %select_n3A_108, %lt3A_114 : i32
      %ne3A_116 = arith.xori %lt3A_113, %lt3A_115 : i1
      %and3A_117 = arith.andi %ne3A_116, %ne3A_111 : i1
      %add3A_118 = arith.addi %rem3A_109, %select_n3A_108 : i32
      %select_n3A_119 = arith.select %and3A_117, %add3A_118, %rem3A_109 : i32
      "tpu.region"() ({
        %run_scoped3A = tpu.sem_alloc : memref<!tpu.dma_semaphore, #tpu.memory_space<semaphore_mem>>
        %dma_start3A_120 = arith.constant 0 : i32
        %dma_start3A_121 = arith.constant 0 : i32
        %dma_start3A_122 = tpu.memref_slice %arg11[%select_n3A_119, %dma_start3A_120, %dma_start3A_121] : memref<2x128x16xf32, #tpu.memory_space<vmem>> -> memref<1x128x16xf32, #tpu.memory_space<vmem>>
        %dma_start3A_123 = tpu.memref_squeeze %dma_start3A_122 : memref<1x128x16xf32, #tpu.memory_space<vmem>> -> memref<128x16xf32, #tpu.memory_space<vmem>>
        %dma_start3A_124 = arith.constant 0 : i32
        %dma_start3A_125 = tpu.memref_slice %arg10[%while3A_75, %dma_start3A_124] : memref<81x128xi32, #tpu.memory_space<vmem>> -> memref<1x128xi32, #tpu.memory_space<vmem>>
        %dma_start3A_126 = tpu.memref_squeeze %dma_start3A_125 : memref<1x128xi32, #tpu.memory_space<vmem>> -> memref<128xi32, #tpu.memory_space<vmem>>
        %dma_start3A_127 = arith.constant 0 : i32
        %dma_start3A_128 = arith.constant 0 : i32
        %dma_start3A_129 = tpu.memref_slice %arg13[%dma_start3A_127, %dma_start3A_128] : memref<10112x16xf32, #tpu.memory_space<vmem_shared>> -> memref<10112x16xf32, #tpu.memory_space<vmem_shared>>
        tpu.enqueue_indirect_dma source(%dma_start3A_123 : memref<128x16xf32, #tpu.memory_space<vmem>>) target(%dma_start3A_129 : memref<10112x16xf32, #tpu.memory_space<vmem_shared>>) offsets(%dma_start3A_126 : memref<128xi32, #tpu.memory_space<vmem>>) semaphore(%run_scoped3A : memref<!tpu.dma_semaphore, #tpu.memory_space<semaphore_mem>>) {add = true}
        %dma_wait3A_130 = arith.constant 0 : i32
        %dma_wait3A_131 = arith.constant 0 : i32
        %dma_wait3A_132 = tpu.memref_slice %arg11[%select_n3A_119, %dma_wait3A_130, %dma_wait3A_131] : memref<2x128x16xf32, #tpu.memory_space<vmem>> -> memref<1x128x16xf32, #tpu.memory_space<vmem>>
        %dma_wait3A_133 = tpu.memref_squeeze %dma_wait3A_132 : memref<1x128x16xf32, #tpu.memory_space<vmem>> -> memref<128x16xf32, #tpu.memory_space<vmem>>
        %dma_wait3A_134 = arith.constant 0 : i32
        %dma_wait3A_135 = tpu.memref_slice %arg10[%while3A_75, %dma_wait3A_134] : memref<81x128xi32, #tpu.memory_space<vmem>> -> memref<1x128xi32, #tpu.memory_space<vmem>>
        %dma_wait3A_136 = tpu.memref_squeeze %dma_wait3A_135 : memref<1x128xi32, #tpu.memory_space<vmem>> -> memref<128xi32, #tpu.memory_space<vmem>>
        %dma_wait3A_137 = arith.constant 0 : i32
        %dma_wait3A_138 = arith.constant 0 : i32
        %dma_wait3A_139 = tpu.memref_slice %arg13[%dma_wait3A_137, %dma_wait3A_138] : memref<10112x16xf32, #tpu.memory_space<vmem_shared>> -> memref<10112x16xf32, #tpu.memory_space<vmem_shared>>
        tpu.wait_indirect_dma semaphore(%run_scoped3A : memref<!tpu.dma_semaphore, #tpu.memory_space<semaphore_mem>>) src(%dma_wait3A_133 : memref<128x16xf32, #tpu.memory_space<vmem>>) dst(%dma_wait3A_139 : memref<10112x16xf32, #tpu.memory_space<vmem_shared>>)
        tpu.yield
      }) : () -> ()
    }
    %while3A_73 = arith.constant 1 : i32
    scf.for %while3A_75 = %while3A_71 to %while3A_67 step %while3A_73  : i32 {
      %add3A_76 = arith.constant 1 : i32
      %add3A_77 = arith.addi %while3A_75, %add3A_76 : i32
      %lt3A_78 = arith.cmpi slt, %add3A_77, %select_n3A_8 : i32
      %convert_element_type3A_79 = arith.extui %lt3A_78 : i1 to i32
      %cond3A_80 = arith.constant 0 : i32
      %cond3A_81 = arith.cmpi ne, %convert_element_type3A_79, %cond3A_80 : i32
      scf.if %cond3A_81 {
        %mul3A_120 = arith.constant 128 : i32
        %mul3A_121 = arith.muli %add3A_77, %mul3A_120 : i32
        %jit3A_122 = arith.constant 2 : i32
        %eq3A_123 = arith.constant 0 : i32
        %eq3A_124 = arith.cmpi eq, %jit3A_122, %eq3A_123 : i32
        %jit3A_125 = arith.constant 1 : i32
        %select_n3A_126 = arith.select %eq3A_124, %jit3A_125, %jit3A_122 : i32
        %rem3A_127 = arith.remsi %add3A_77, %select_n3A_126 : i32
        %ne3A_128 = arith.constant 0 : i32
        %ne3A_129 = arith.cmpi ne, %rem3A_127, %ne3A_128 : i32
        %lt3A_130 = arith.constant 0 : i32
        %lt3A_131 = arith.cmpi slt, %rem3A_127, %lt3A_130 : i32
        %lt3A_132 = arith.constant 0 : i32
        %lt3A_133 = arith.cmpi slt, %select_n3A_126, %lt3A_132 : i32
        %ne3A_134 = arith.xori %lt3A_131, %lt3A_133 : i1
        %and3A_135 = arith.andi %ne3A_134, %ne3A_129 : i1
        %add3A_136 = arith.addi %rem3A_127, %select_n3A_126 : i32
        %select_n3A_137 = arith.select %and3A_135, %add3A_136, %rem3A_127 : i32
        %dma_start3A_138 = arith.constant 0 : i32
        %dma_start3A_139 = arith.constant 0 : i32
        %dma_start3A_140 = tpu.memref_slice %arg11[%select_n3A_137, %dma_start3A_138, %dma_start3A_139] : memref<2x128x16xf32, #tpu.memory_space<vmem>> -> memref<1x128x16xf32, #tpu.memory_space<vmem>>
        %dma_start3A_141 = tpu.memref_squeeze %dma_start3A_140 : memref<1x128x16xf32, #tpu.memory_space<vmem>> -> memref<128x16xf32, #tpu.memory_space<vmem>>
        %dma_start3A_142 = tpu.memref_slice %arg9[%mul3A_121] : memref<10368xi32, #tpu.memory_space<vmem>> -> memref<128xi32, #tpu.memory_space<vmem>>
        %dma_start3A_143 = arith.constant 0 : i32
        %dma_start3A_144 = arith.constant 0 : i32
        %dma_start3A_145 = tpu.memref_slice %arg15[%dma_start3A_143, %dma_start3A_144] : memref<10112x16xf32, #tpu.memory_space<vmem_shared>> -> memref<10112x16xf32, #tpu.memory_space<vmem_shared>>
        tpu.enqueue_indirect_dma source(%dma_start3A_145 : memref<10112x16xf32, #tpu.memory_space<vmem_shared>>) target(%dma_start3A_141 : memref<128x16xf32, #tpu.memory_space<vmem>>) offsets(%dma_start3A_142 : memref<128xi32, #tpu.memory_space<vmem>>) semaphore(%arg16 : memref<!tpu.dma_semaphore, #tpu.memory_space<semaphore_mem>>)
      } else {
      }
      %mul3A_82 = arith.constant 128 : i32
      %mul3A_83 = arith.muli %while3A_75, %mul3A_82 : i32
      %jit3A_84 = arith.constant 2 : i32
      %eq3A_85 = arith.constant 0 : i32
      %eq3A_86 = arith.cmpi eq, %jit3A_84, %eq3A_85 : i32
      %jit3A_87 = arith.constant 1 : i32
      %select_n3A_88 = arith.select %eq3A_86, %jit3A_87, %jit3A_84 : i32
      %rem3A = arith.remsi %while3A_75, %select_n3A_88 : i32
      %ne3A = arith.constant 0 : i32
      %ne3A_89 = arith.cmpi ne, %rem3A, %ne3A : i32
      %lt3A_90 = arith.constant 0 : i32
      %lt3A_91 = arith.cmpi slt, %rem3A, %lt3A_90 : i32
      %lt3A_92 = arith.constant 0 : i32
      %lt3A_93 = arith.cmpi slt, %select_n3A_88, %lt3A_92 : i32
      %ne3A_94 = arith.xori %lt3A_91, %lt3A_93 : i1
      %and3A = arith.andi %ne3A_94, %ne3A_89 : i1
      %add3A_95 = arith.addi %rem3A, %select_n3A_88 : i32
      %select_n3A_96 = arith.select %and3A, %add3A_95, %rem3A : i32
      %dma_wait3A = arith.constant 0 : i32
      %dma_wait3A_97 = arith.constant 0 : i32
      %dma_wait3A_98 = tpu.memref_slice %arg11[%select_n3A_96, %dma_wait3A, %dma_wait3A_97] : memref<2x128x16xf32, #tpu.memory_space<vmem>> -> memref<1x128x16xf32, #tpu.memory_space<vmem>>
      %dma_wait3A_99 = tpu.memref_squeeze %dma_wait3A_98 : memref<1x128x16xf32, #tpu.memory_space<vmem>> -> memref<128x16xf32, #tpu.memory_space<vmem>>
      %dma_wait3A_100 = tpu.memref_slice %arg9[%mul3A_83] : memref<10368xi32, #tpu.memory_space<vmem>> -> memref<128xi32, #tpu.memory_space<vmem>>
      %dma_wait3A_101 = arith.constant 0 : i32
      %dma_wait3A_102 = arith.constant 0 : i32
      %dma_wait3A_103 = tpu.memref_slice %arg15[%dma_wait3A_101, %dma_wait3A_102] : memref<10112x16xf32, #tpu.memory_space<vmem_shared>> -> memref<10112x16xf32, #tpu.memory_space<vmem_shared>>
      tpu.wait_indirect_dma semaphore(%arg16 : memref<!tpu.dma_semaphore, #tpu.memory_space<semaphore_mem>>) src(%dma_wait3A_103 : memref<10112x16xf32, #tpu.memory_space<vmem_shared>>) dst(%dma_wait3A_99 : memref<128x16xf32, #tpu.memory_space<vmem>>)
      %jit3A_104 = arith.constant 2 : i32
      %eq3A_105 = arith.constant 0 : i32
      %eq3A_106 = arith.cmpi eq, %jit3A_104, %eq3A_105 : i32
      %jit3A_107 = arith.constant 1 : i32
      %select_n3A_108 = arith.select %eq3A_106, %jit3A_107, %jit3A_104 : i32
      %rem3A_109 = arith.remsi %while3A_75, %select_n3A_108 : i32
      %ne3A_110 = arith.constant 0 : i32
      %ne3A_111 = arith.cmpi ne, %rem3A_109, %ne3A_110 : i32
      %lt3A_112 = arith.constant 0 : i32
      %lt3A_113 = arith.cmpi slt, %rem3A_109, %lt3A_112 : i32
      %lt3A_114 = arith.constant 0 : i32
      %lt3A_115 = arith.cmpi slt, %select_n3A_108, %lt3A_114 : i32
      %ne3A_116 = arith.xori %lt3A_113, %lt3A_115 : i1
      %and3A_117 = arith.andi %ne3A_116, %ne3A_111 : i1
      %add3A_118 = arith.addi %rem3A_109, %select_n3A_108 : i32
      %select_n3A_119 = arith.select %and3A_117, %add3A_118, %rem3A_109 : i32
      "tpu.region"() ({
        %run_scoped3A = tpu.sem_alloc : memref<!tpu.dma_semaphore, #tpu.memory_space<semaphore_mem>>
        %dma_start3A_120 = arith.constant 0 : i32
        %dma_start3A_121 = arith.constant 0 : i32
        %dma_start3A_122 = tpu.memref_slice %arg11[%select_n3A_119, %dma_start3A_120, %dma_start3A_121] : memref<2x128x16xf32, #tpu.memory_space<vmem>> -> memref<1x128x16xf32, #tpu.memory_space<vmem>>
        %dma_start3A_123 = tpu.memref_squeeze %dma_start3A_122 : memref<1x128x16xf32, #tpu.memory_space<vmem>> -> memref<128x16xf32, #tpu.memory_space<vmem>>
        %dma_start3A_124 = arith.constant 0 : i32
        %dma_start3A_125 = tpu.memref_slice %arg10[%while3A_75, %dma_start3A_124] : memref<81x128xi32, #tpu.memory_space<vmem>> -> memref<1x128xi32, #tpu.memory_space<vmem>>
        %dma_start3A_126 = tpu.memref_squeeze %dma_start3A_125 : memref<1x128xi32, #tpu.memory_space<vmem>> -> memref<128xi32, #tpu.memory_space<vmem>>
        %dma_start3A_127 = arith.constant 0 : i32
        %dma_start3A_128 = arith.constant 0 : i32
        %dma_start3A_129 = tpu.memref_slice %arg13[%dma_start3A_127, %dma_start3A_128] : memref<10112x16xf32, #tpu.memory_space<vmem_shared>> -> memref<10112x16xf32, #tpu.memory_space<vmem_shared>>
        tpu.enqueue_indirect_dma source(%dma_start3A_123 : memref<128x16xf32, #tpu.memory_space<vmem>>) target(%dma_start3A_129 : memref<10112x16xf32, #tpu.memory_space<vmem_shared>>) offsets(%dma_start3A_126 : memref<128xi32, #tpu.memory_space<vmem>>) semaphore(%run_scoped3A : memref<!tpu.dma_semaphore, #tpu.memory_space<semaphore_mem>>) {add = true}
        %dma_wait3A_130 = arith.constant 0 : i32
        %dma_wait3A_131 = arith.constant 0 : i32
        %dma_wait3A_132 = tpu.memref_slice %arg11[%select_n3A_119, %dma_wait3A_130, %dma_wait3A_131] : memref<2x128x16xf32, #tpu.memory_space<vmem>> -> memref<1x128x16xf32, #tpu.memory_space<vmem>>
        %dma_wait3A_133 = tpu.memref_squeeze %dma_wait3A_132 : memref<1x128x16xf32, #tpu.memory_space<vmem>> -> memref<128x16xf32, #tpu.memory_space<vmem>>
        %dma_wait3A_134 = arith.constant 0 : i32
        %dma_wait3A_135 = tpu.memref_slice %arg10[%while3A_75, %dma_wait3A_134] : memref<81x128xi32, #tpu.memory_space<vmem>> -> memref<1x128xi32, #tpu.memory_space<vmem>>
        %dma_wait3A_136 = tpu.memref_squeeze %dma_wait3A_135 : memref<1x128xi32, #tpu.memory_space<vmem>> -> memref<128xi32, #tpu.memory_space<vmem>>
        %dma_wait3A_137 = arith.constant 0 : i32
        %dma_wait3A_138 = arith.constant 0 : i32
        %dma_wait3A_139 = tpu.memref_slice %arg13[%dma_wait3A_137, %dma_wait3A_138] : memref<10112x16xf32, #tpu.memory_space<vmem_shared>> -> memref<10112x16xf32, #tpu.memory_space<vmem_shared>>
        tpu.wait_indirect_dma semaphore(%run_scoped3A : memref<!tpu.dma_semaphore, #tpu.memory_space<semaphore_mem>>) src(%dma_wait3A_133 : memref<128x16xf32, #tpu.memory_space<vmem>>) dst(%dma_wait3A_139 : memref<10112x16xf32, #tpu.memory_space<vmem_shared>>)
        tpu.yield
      }) : () -> ()
    }
    %barrier3A_74 = arith.constant 0 : index
    tpu.barrier barrier_id(%barrier3A_74)
    "tpu.region"() ({
      %run_scoped3A = tpu.sem_alloc : memref<!tpu.dma_semaphore, #tpu.memory_space<semaphore_mem>>
      %dma_start3A_75 = arith.constant 0 : i32
      %dma_start3A_76 = tpu.memref_slice %arg8[%arg0, %mul3A_0, %dma_start3A_75] : memref<2x10112x16xf32, #tpu.memory_space<hbm>> -> memref<1x632x16xf32, #tpu.memory_space<hbm>>
      %dma_start3A_77 = tpu.memref_squeeze %dma_start3A_76 : memref<1x632x16xf32, #tpu.memory_space<hbm>> -> memref<632x16xf32, #tpu.memory_space<hbm>>
      %dma_start3A_78 = arith.constant 0 : i32
      %dma_start3A_79 = tpu.memref_slice %arg13[%mul3A_0, %dma_start3A_78] : memref<10112x16xf32, #tpu.memory_space<vmem_shared>> -> memref<632x16xf32, #tpu.memory_space<vmem_shared>>
      tpu.enqueue_dma source(%dma_start3A_79 : memref<632x16xf32, #tpu.memory_space<vmem_shared>>) target(%dma_start3A_77 : memref<632x16xf32, #tpu.memory_space<hbm>>) target_semaphore(%run_scoped3A : memref<!tpu.dma_semaphore, #tpu.memory_space<semaphore_mem>>)
      %dma_wait3A = arith.constant 0 : i32
      %dma_wait3A_80 = tpu.memref_slice %arg8[%arg0, %mul3A_0, %dma_wait3A] : memref<2x10112x16xf32, #tpu.memory_space<hbm>> -> memref<1x632x16xf32, #tpu.memory_space<hbm>>
      %dma_wait3A_81 = tpu.memref_squeeze %dma_wait3A_80 : memref<1x632x16xf32, #tpu.memory_space<hbm>> -> memref<632x16xf32, #tpu.memory_space<hbm>>
      %dma_wait3A_82 = arith.constant 0 : i32
      %dma_wait3A_83 = tpu.memref_slice %arg13[%mul3A_0, %dma_wait3A_82] : memref<10112x16xf32, #tpu.memory_space<vmem_shared>> -> memref<632x16xf32, #tpu.memory_space<vmem_shared>>
      tpu.wait_dma2 semaphore(%run_scoped3A : memref<!tpu.dma_semaphore, #tpu.memory_space<semaphore_mem>>) src(%dma_wait3A_83 : memref<632x16xf32, #tpu.memory_space<vmem_shared>>) dst(%dma_wait3A_81 : memref<632x16xf32, #tpu.memory_space<hbm>>)
      tpu.yield
    }) : () -> ()
    return
  }
}

#map = affine_map<(d0, d1) -> (0, 0)>
#map1 = affine_map<(d0, d1) -> (0)>
#map2 = affine_map<(d0, d1) -> (0, 0, 0)>
module attributes {stable_mosaic.version = 14 : i64} {
  func.func @body(%arg0: i32, %arg1: i32, %arg2: memref<2x320000xi32, #tpu.memory_space<hbm>>, %arg3: memref<10000x16xf32, #tpu.memory_space<hbm>>, %arg4: memref<632x16xf32, #tpu.memory_space<hbm>>, %arg5: memref<128x16xf32, #tpu.memory_space<hbm>>, %arg6: memref<128xi32, #tpu.memory_space<hbm>>, %arg7: memref<128xi32, #tpu.memory_space<hbm>>, %arg8: memref<2x10112x16xf32, #tpu.memory_space<hbm>>, %arg9: memref<2x10112x16xf32, #tpu.memory_space<hbm>>, %arg10: memref<10368xi32, #tpu.memory_space<vmem>>, %arg11: memref<81x128xi32, #tpu.memory_space<vmem>>, %arg12: memref<2x128x16xf32, #tpu.memory_space<vmem>>, %arg13: memref<128x16xf32, #tpu.memory_space<vmem>>, %arg14: memref<10112x16xf32, #tpu.memory_space<vmem_shared>>, %arg15: memref<10112x16xf32, #tpu.memory_space<vmem_shared>>, %arg16: memref<10112x16xf32, #tpu.memory_space<vmem_shared>>, %arg17: memref<!tpu.dma_semaphore, #tpu.memory_space<semaphore_mem>>, %arg18: memref<!tpu.dma_semaphore, #tpu.memory_space<semaphore_mem>>) attributes {dimension_semantics = [#tpu.dimension_semantics<core_parallel>, #tpu.dimension_semantics<subcore_parallel>], iteration_bounds = array<i64: 2, 16>, scalar_prefetch = 0 : i64, scratch_operands = 9 : i64, tpu.core_type = #tpu.core_type<sc_vector_subcore>, window_params = [{transform_indices = #map}, {transform_indices = #map}, {transform_indices = #map}, {transform_indices = #map}, {transform_indices = #map1}, {transform_indices = #map1}, {transform_indices = #map2}, {transform_indices = #map2}]} {
    %mul3A = arith.constant 632 : i32
    %mul3A_0 = arith.muli %arg1, %mul3A : i32
    %eq3A = arith.constant 0 : i32
    %eq3A_1 = arith.cmpi eq, %arg0, %eq3A : i32
    %mul3A_2 = arith.constant 10368 : i32
    %mul3A_3 = arith.muli %arg1, %mul3A_2 : i32
    %mul3A_4 = arith.constant 9632 : i32
    %mul3A_5 = arith.muli %arg1, %mul3A_4 : i32
    %add3A = arith.constant 165888 : i32
    %add3A_6 = arith.addi %add3A, %mul3A_5 : i32
    %select_n3A = arith.select %eq3A_1, %mul3A_3, %add3A_6 : i32
    %jit3A = arith.constant 81 : i32
    %jit3A_7 = arith.constant 76 : i32
    %select_n3A_8 = arith.select %eq3A_1, %jit3A, %jit3A_7 : i32
    "tpu.region"() ({
      %run_scoped3A = tpu.sem_alloc : memref<!tpu.dma_semaphore, #tpu.memory_space<semaphore_mem>>
      %dma_start3A_75 = arith.constant 0 : i32
      %dma_start3A_76 = tpu.memref_slice %arg14[%mul3A_0, %dma_start3A_75] : memref<10112x16xf32, #tpu.memory_space<vmem_shared>> -> memref<632x16xf32, #tpu.memory_space<vmem_shared>>
      tpu.enqueue_dma source(%arg4 : memref<632x16xf32, #tpu.memory_space<hbm>>) target(%dma_start3A_76 : memref<632x16xf32, #tpu.memory_space<vmem_shared>>) target_semaphore(%run_scoped3A : memref<!tpu.dma_semaphore, #tpu.memory_space<semaphore_mem>>)
      %dma_wait3A = arith.constant 0 : i32
      %dma_wait3A_77 = tpu.memref_slice %arg14[%mul3A_0, %dma_wait3A] : memref<10112x16xf32, #tpu.memory_space<vmem_shared>> -> memref<632x16xf32, #tpu.memory_space<vmem_shared>>
      tpu.wait_dma2 semaphore(%run_scoped3A : memref<!tpu.dma_semaphore, #tpu.memory_space<semaphore_mem>>) src(%arg4 : memref<632x16xf32, #tpu.memory_space<hbm>>) dst(%dma_wait3A_77 : memref<632x16xf32, #tpu.memory_space<vmem_shared>>)
      tpu.yield
    }) : () -> ()
    "tpu.region"() ({
      %run_scoped3A = tpu.sem_alloc : memref<!tpu.dma_semaphore, #tpu.memory_space<semaphore_mem>>
      %dma_start3A_75 = arith.constant 0 : i32
      %dma_start3A_76 = tpu.memref_slice %arg15[%mul3A_0, %dma_start3A_75] : memref<10112x16xf32, #tpu.memory_space<vmem_shared>> -> memref<632x16xf32, #tpu.memory_space<vmem_shared>>
      tpu.enqueue_dma source(%arg4 : memref<632x16xf32, #tpu.memory_space<hbm>>) target(%dma_start3A_76 : memref<632x16xf32, #tpu.memory_space<vmem_shared>>) target_semaphore(%run_scoped3A : memref<!tpu.dma_semaphore, #tpu.memory_space<semaphore_mem>>)
      %dma_wait3A = arith.constant 0 : i32
      %dma_wait3A_77 = tpu.memref_slice %arg15[%mul3A_0, %dma_wait3A] : memref<10112x16xf32, #tpu.memory_space<vmem_shared>> -> memref<632x16xf32, #tpu.memory_space<vmem_shared>>
      tpu.wait_dma2 semaphore(%run_scoped3A : memref<!tpu.dma_semaphore, #tpu.memory_space<semaphore_mem>>) src(%arg4 : memref<632x16xf32, #tpu.memory_space<hbm>>) dst(%dma_wait3A_77 : memref<632x16xf32, #tpu.memory_space<vmem_shared>>)
      tpu.yield
    }) : () -> ()
    "tpu.region"() ({
      %run_scoped3A = tpu.sem_alloc : memref<!tpu.dma_semaphore, #tpu.memory_space<semaphore_mem>>
      tpu.enqueue_dma source(%arg5 : memref<128x16xf32, #tpu.memory_space<hbm>>) target(%arg13 : memref<128x16xf32, #tpu.memory_space<vmem>>) target_semaphore(%run_scoped3A : memref<!tpu.dma_semaphore, #tpu.memory_space<semaphore_mem>>)
      tpu.wait_dma2 semaphore(%run_scoped3A : memref<!tpu.dma_semaphore, #tpu.memory_space<semaphore_mem>>) src(%arg5 : memref<128x16xf32, #tpu.memory_space<hbm>>) dst(%arg13 : memref<128x16xf32, #tpu.memory_space<vmem>>)
      tpu.yield
    }) : () -> ()
    %convert_element_type3A = arith.extui %eq3A_1 : i1 to i32
    %cond3A = arith.constant 0 : i32
    %cond3A_9 = arith.cmpi ne, %convert_element_type3A, %cond3A : i32
    scf.if %cond3A_9 {
      %run_scoped3A = arith.constant 0 : i32
      "tpu.region"() ({
        %run_scoped3A_75 = tpu.sem_alloc : memref<!tpu.dma_semaphore, #tpu.memory_space<semaphore_mem>>
        %dma_start3A_76 = arith.constant 0 : i32
        %dma_start3A_77 = tpu.memref_slice %arg10[%dma_start3A_76] : memref<10368xi32, #tpu.memory_space<vmem>> -> memref<10368xi32, #tpu.memory_space<vmem>>
        %dma_start3A_78 = tpu.memref_slice %arg2[%run_scoped3A, %select_n3A] : memref<2x320000xi32, #tpu.memory_space<hbm>> -> memref<1x10368xi32, #tpu.memory_space<hbm>>
        %dma_start3A_79 = tpu.memref_squeeze %dma_start3A_78 : memref<1x10368xi32, #tpu.memory_space<hbm>> -> memref<10368xi32, #tpu.memory_space<hbm>>
        %dma_start3A_80 = arith.constant 0 : i32
        %dma_start3A_81 = tpu.memref_slice %arg10[%dma_start3A_80] : memref<10368xi32, #tpu.memory_space<vmem>> -> memref<10368xi32, #tpu.memory_space<vmem>>
        %dma_start3A_82 = tpu.memref_slice %arg2[%run_scoped3A, %select_n3A] : memref<2x320000xi32, #tpu.memory_space<hbm>> -> memref<1x10368xi32, #tpu.memory_space<hbm>>
        %dma_start3A_83 = tpu.memref_squeeze %dma_start3A_82 : memref<1x10368xi32, #tpu.memory_space<hbm>> -> memref<10368xi32, #tpu.memory_space<hbm>>
        tpu.enqueue_dma source(%dma_start3A_83 : memref<10368xi32, #tpu.memory_space<hbm>>) target(%dma_start3A_81 : memref<10368xi32, #tpu.memory_space<vmem>>) target_semaphore(%run_scoped3A_75 : memref<!tpu.dma_semaphore, #tpu.memory_space<semaphore_mem>>)
        %dma_wait3A = arith.constant 0 : i32
        %dma_wait3A_84 = tpu.memref_slice %arg10[%dma_wait3A] : memref<10368xi32, #tpu.memory_space<vmem>> -> memref<10368xi32, #tpu.memory_space<vmem>>
        %dma_wait3A_85 = tpu.memref_slice %arg2[%run_scoped3A, %select_n3A] : memref<2x320000xi32, #tpu.memory_space<hbm>> -> memref<1x10368xi32, #tpu.memory_space<hbm>>
        %dma_wait3A_86 = tpu.memref_squeeze %dma_wait3A_85 : memref<1x10368xi32, #tpu.memory_space<hbm>> -> memref<10368xi32, #tpu.memory_space<hbm>>
        %dma_wait3A_87 = arith.constant 0 : i32
        %dma_wait3A_88 = tpu.memref_slice %arg10[%dma_wait3A_87] : memref<10368xi32, #tpu.memory_space<vmem>> -> memref<10368xi32, #tpu.memory_space<vmem>>
        %dma_wait3A_89 = tpu.memref_slice %arg2[%run_scoped3A, %select_n3A] : memref<2x320000xi32, #tpu.memory_space<hbm>> -> memref<1x10368xi32, #tpu.memory_space<hbm>>
        %dma_wait3A_90 = tpu.memref_squeeze %dma_wait3A_89 : memref<1x10368xi32, #tpu.memory_space<hbm>> -> memref<10368xi32, #tpu.memory_space<hbm>>
        tpu.wait_dma2 semaphore(%run_scoped3A_75 : memref<!tpu.dma_semaphore, #tpu.memory_space<semaphore_mem>>) src(%dma_wait3A_90 : memref<10368xi32, #tpu.memory_space<hbm>>) dst(%dma_wait3A_88 : memref<10368xi32, #tpu.memory_space<vmem>>)
        tpu.yield
      }) : () -> ()
    } else {
    }
    %not3A = arith.constant true
    %not3A_10 = arith.xori %eq3A_1, %not3A : i1
    %convert_element_type3A_11 = arith.extui %not3A_10 : i1 to i32
    %cond3A_12 = arith.constant 0 : i32
    %cond3A_13 = arith.cmpi ne, %convert_element_type3A_11, %cond3A_12 : i32
    scf.if %cond3A_13 {
      %run_scoped3A = arith.constant 0 : i32
      "tpu.region"() ({
        %run_scoped3A_75 = tpu.sem_alloc : memref<!tpu.dma_semaphore, #tpu.memory_space<semaphore_mem>>
        %dma_start3A_76 = arith.constant 0 : i32
        %dma_start3A_77 = tpu.memref_slice %arg10[%dma_start3A_76] : memref<10368xi32, #tpu.memory_space<vmem>> -> memref<9632xi32, #tpu.memory_space<vmem>>
        %dma_start3A_78 = tpu.memref_slice %arg2[%run_scoped3A, %select_n3A] : memref<2x320000xi32, #tpu.memory_space<hbm>> -> memref<1x9632xi32, #tpu.memory_space<hbm>>
        %dma_start3A_79 = tpu.memref_squeeze %dma_start3A_78 : memref<1x9632xi32, #tpu.memory_space<hbm>> -> memref<9632xi32, #tpu.memory_space<hbm>>
        %dma_start3A_80 = arith.constant 0 : i32
        %dma_start3A_81 = tpu.memref_slice %arg10[%dma_start3A_80] : memref<10368xi32, #tpu.memory_space<vmem>> -> memref<9632xi32, #tpu.memory_space<vmem>>
        %dma_start3A_82 = tpu.memref_slice %arg2[%run_scoped3A, %select_n3A] : memref<2x320000xi32, #tpu.memory_space<hbm>> -> memref<1x9632xi32, #tpu.memory_space<hbm>>
        %dma_start3A_83 = tpu.memref_squeeze %dma_start3A_82 : memref<1x9632xi32, #tpu.memory_space<hbm>> -> memref<9632xi32, #tpu.memory_space<hbm>>
        tpu.enqueue_dma source(%dma_start3A_83 : memref<9632xi32, #tpu.memory_space<hbm>>) target(%dma_start3A_81 : memref<9632xi32, #tpu.memory_space<vmem>>) target_semaphore(%run_scoped3A_75 : memref<!tpu.dma_semaphore, #tpu.memory_space<semaphore_mem>>)
        %dma_wait3A = arith.constant 0 : i32
        %dma_wait3A_84 = tpu.memref_slice %arg10[%dma_wait3A] : memref<10368xi32, #tpu.memory_space<vmem>> -> memref<9632xi32, #tpu.memory_space<vmem>>
        %dma_wait3A_85 = tpu.memref_slice %arg2[%run_scoped3A, %select_n3A] : memref<2x320000xi32, #tpu.memory_space<hbm>> -> memref<1x9632xi32, #tpu.memory_space<hbm>>
        %dma_wait3A_86 = tpu.memref_squeeze %dma_wait3A_85 : memref<1x9632xi32, #tpu.memory_space<hbm>> -> memref<9632xi32, #tpu.memory_space<hbm>>
        %dma_wait3A_87 = arith.constant 0 : i32
        %dma_wait3A_88 = tpu.memref_slice %arg10[%dma_wait3A_87] : memref<10368xi32, #tpu.memory_space<vmem>> -> memref<9632xi32, #tpu.memory_space<vmem>>
        %dma_wait3A_89 = tpu.memref_slice %arg2[%run_scoped3A, %select_n3A] : memref<2x320000xi32, #tpu.memory_space<hbm>> -> memref<1x9632xi32, #tpu.memory_space<hbm>>
        %dma_wait3A_90 = tpu.memref_squeeze %dma_wait3A_89 : memref<1x9632xi32, #tpu.memory_space<hbm>> -> memref<9632xi32, #tpu.memory_space<hbm>>
        tpu.wait_dma2 semaphore(%run_scoped3A_75 : memref<!tpu.dma_semaphore, #tpu.memory_space<semaphore_mem>>) src(%dma_wait3A_90 : memref<9632xi32, #tpu.memory_space<hbm>>) dst(%dma_wait3A_88 : memref<9632xi32, #tpu.memory_space<vmem>>)
        tpu.yield
      }) : () -> ()
      "tpu.region"() ({
        %run_scoped3A_75 = tpu.sem_alloc : memref<!tpu.dma_semaphore, #tpu.memory_space<semaphore_mem>>
        %dma_start3A_76 = arith.constant 9632 : i32
        %dma_start3A_77 = tpu.memref_slice %arg10[%dma_start3A_76] : memref<10368xi32, #tpu.memory_space<vmem>> -> memref<96xi32, #tpu.memory_space<vmem>>
        %dma_start3A_78 = arith.constant 0 : i32
        %dma_start3A_79 = tpu.memref_slice %arg6[%dma_start3A_78] : memref<128xi32, #tpu.memory_space<hbm>> -> memref<96xi32, #tpu.memory_space<hbm>>
        %dma_start3A_80 = arith.constant 9632 : i32
        %dma_start3A_81 = tpu.memref_slice %arg10[%dma_start3A_80] : memref<10368xi32, #tpu.memory_space<vmem>> -> memref<96xi32, #tpu.memory_space<vmem>>
        %dma_start3A_82 = arith.constant 0 : i32
        %dma_start3A_83 = tpu.memref_slice %arg6[%dma_start3A_82] : memref<128xi32, #tpu.memory_space<hbm>> -> memref<96xi32, #tpu.memory_space<hbm>>
        tpu.enqueue_dma source(%dma_start3A_83 : memref<96xi32, #tpu.memory_space<hbm>>) target(%dma_start3A_81 : memref<96xi32, #tpu.memory_space<vmem>>) target_semaphore(%run_scoped3A_75 : memref<!tpu.dma_semaphore, #tpu.memory_space<semaphore_mem>>)
        %dma_wait3A = arith.constant 9632 : i32
        %dma_wait3A_84 = tpu.memref_slice %arg10[%dma_wait3A] : memref<10368xi32, #tpu.memory_space<vmem>> -> memref<96xi32, #tpu.memory_space<vmem>>
        %dma_wait3A_85 = arith.constant 0 : i32
        %dma_wait3A_86 = tpu.memref_slice %arg6[%dma_wait3A_85] : memref<128xi32, #tpu.memory_space<hbm>> -> memref<96xi32, #tpu.memory_space<hbm>>
        %dma_wait3A_87 = arith.constant 9632 : i32
        %dma_wait3A_88 = tpu.memref_slice %arg10[%dma_wait3A_87] : memref<10368xi32, #tpu.memory_space<vmem>> -> memref<96xi32, #tpu.memory_space<vmem>>
        %dma_wait3A_89 = arith.constant 0 : i32
        %dma_wait3A_90 = tpu.memref_slice %arg6[%dma_wait3A_89] : memref<128xi32, #tpu.memory_space<hbm>> -> memref<96xi32, #tpu.memory_space<hbm>>
        tpu.wait_dma2 semaphore(%run_scoped3A_75 : memref<!tpu.dma_semaphore, #tpu.memory_space<semaphore_mem>>) src(%dma_wait3A_90 : memref<96xi32, #tpu.memory_space<hbm>>) dst(%dma_wait3A_88 : memref<96xi32, #tpu.memory_space<vmem>>)
        tpu.yield
      }) : () -> ()
    } else {
    }
    %jit3A_14 = arith.constant 81 : i32
    %jit3A_15 = arith.constant 75 : i32
    %select_n3A_16 = arith.select %eq3A_1, %jit3A_14, %jit3A_15 : i32
    %while3A = arith.constant 0 : i32
    %while3A_17 = arith.constant 0 : i32
    %while3A_18 = arith.subi %select_n3A_16, %while3A_17 : i32
    %while3A_19 = arith.addi %while3A_17, %while3A_18 : i32
    %while3A_20 = arith.constant 1 : i32
    %while3A_21 = arith.divsi %while3A_18, %while3A_20 : i32
    %while3A_22 = arith.muli %while3A_21, %while3A_20 : i32
    %while3A_23 = arith.addi %while3A_17, %while3A_22 : i32
    %while3A_24 = arith.constant 1 : i32
    scf.for %while3A_75 = %while3A_17 to %while3A_23 step %while3A_24  : i32 {
      %mul3A_76 = arith.constant 128 : i32
      %mul3A_77 = arith.muli %while3A_75, %mul3A_76 : i32
      %add3A_78 = arith.addi %select_n3A, %mul3A_77 : i32
      %dma_start3A_79 = arith.constant 1 : i32
      %dma_start3A_80 = arith.constant 0 : i32
      %dma_start3A_81 = tpu.memref_slice %arg11[%while3A_75, %dma_start3A_80] : memref<81x128xi32, #tpu.memory_space<vmem>> -> memref<1x128xi32, #tpu.memory_space<vmem>>
      %dma_start3A_82 = tpu.memref_squeeze %dma_start3A_81 : memref<1x128xi32, #tpu.memory_space<vmem>> -> memref<128xi32, #tpu.memory_space<vmem>>
      %dma_start3A_83 = tpu.memref_slice %arg2[%dma_start3A_79, %add3A_78] : memref<2x320000xi32, #tpu.memory_space<hbm>> -> memref<1x128xi32, #tpu.memory_space<hbm>>
      %dma_start3A_84 = tpu.memref_squeeze %dma_start3A_83 : memref<1x128xi32, #tpu.memory_space<hbm>> -> memref<128xi32, #tpu.memory_space<hbm>>
      %dma_start3A_85 = arith.constant 0 : i32
      %dma_start3A_86 = tpu.memref_slice %arg11[%while3A_75, %dma_start3A_85] : memref<81x128xi32, #tpu.memory_space<vmem>> -> memref<1x128xi32, #tpu.memory_space<vmem>>
      %dma_start3A_87 = tpu.memref_squeeze %dma_start3A_86 : memref<1x128xi32, #tpu.memory_space<vmem>> -> memref<128xi32, #tpu.memory_space<vmem>>
      %dma_start3A_88 = tpu.memref_slice %arg2[%dma_start3A_79, %add3A_78] : memref<2x320000xi32, #tpu.memory_space<hbm>> -> memref<1x128xi32, #tpu.memory_space<hbm>>
      %dma_start3A_89 = tpu.memref_squeeze %dma_start3A_88 : memref<1x128xi32, #tpu.memory_space<hbm>> -> memref<128xi32, #tpu.memory_space<hbm>>
      tpu.enqueue_dma source(%dma_start3A_89 : memref<128xi32, #tpu.memory_space<hbm>>) target(%dma_start3A_87 : memref<128xi32, #tpu.memory_space<vmem>>) target_semaphore(%arg18 : memref<!tpu.dma_semaphore, #tpu.memory_space<semaphore_mem>>)
    }
    %while3A_25 = arith.constant 1 : i32
    scf.for %while3A_75 = %while3A_23 to %while3A_19 step %while3A_25  : i32 {
      %mul3A_76 = arith.constant 128 : i32
      %mul3A_77 = arith.muli %while3A_75, %mul3A_76 : i32
      %add3A_78 = arith.addi %select_n3A, %mul3A_77 : i32
      %dma_start3A_79 = arith.constant 1 : i32
      %dma_start3A_80 = arith.constant 0 : i32
      %dma_start3A_81 = tpu.memref_slice %arg11[%while3A_75, %dma_start3A_80] : memref<81x128xi32, #tpu.memory_space<vmem>> -> memref<1x128xi32, #tpu.memory_space<vmem>>
      %dma_start3A_82 = tpu.memref_squeeze %dma_start3A_81 : memref<1x128xi32, #tpu.memory_space<vmem>> -> memref<128xi32, #tpu.memory_space<vmem>>
      %dma_start3A_83 = tpu.memref_slice %arg2[%dma_start3A_79, %add3A_78] : memref<2x320000xi32, #tpu.memory_space<hbm>> -> memref<1x128xi32, #tpu.memory_space<hbm>>
      %dma_start3A_84 = tpu.memref_squeeze %dma_start3A_83 : memref<1x128xi32, #tpu.memory_space<hbm>> -> memref<128xi32, #tpu.memory_space<hbm>>
      %dma_start3A_85 = arith.constant 0 : i32
      %dma_start3A_86 = tpu.memref_slice %arg11[%while3A_75, %dma_start3A_85] : memref<81x128xi32, #tpu.memory_space<vmem>> -> memref<1x128xi32, #tpu.memory_space<vmem>>
      %dma_start3A_87 = tpu.memref_squeeze %dma_start3A_86 : memref<1x128xi32, #tpu.memory_space<vmem>> -> memref<128xi32, #tpu.memory_space<vmem>>
      %dma_start3A_88 = tpu.memref_slice %arg2[%dma_start3A_79, %add3A_78] : memref<2x320000xi32, #tpu.memory_space<hbm>> -> memref<1x128xi32, #tpu.memory_space<hbm>>
      %dma_start3A_89 = tpu.memref_squeeze %dma_start3A_88 : memref<1x128xi32, #tpu.memory_space<hbm>> -> memref<128xi32, #tpu.memory_space<hbm>>
      tpu.enqueue_dma source(%dma_start3A_89 : memref<128xi32, #tpu.memory_space<hbm>>) target(%dma_start3A_87 : memref<128xi32, #tpu.memory_space<vmem>>) target_semaphore(%arg18 : memref<!tpu.dma_semaphore, #tpu.memory_space<semaphore_mem>>)
    }
    %not3A_26 = arith.constant true
    %not3A_27 = arith.xori %eq3A_1, %not3A_26 : i1
    %convert_element_type3A_28 = arith.extui %not3A_27 : i1 to i32
    %cond3A_29 = arith.constant 0 : i32
    %cond3A_30 = arith.cmpi ne, %convert_element_type3A_28, %cond3A_29 : i32
    scf.if %cond3A_30 {
      %run_scoped3A = arith.constant 75 : i32
      "tpu.region"() ({
        %run_scoped3A_89 = tpu.sem_alloc : memref<!tpu.dma_semaphore, #tpu.memory_space<semaphore_mem>>
        %dma_start3A_90 = arith.constant 0 : i32
        %dma_start3A_91 = tpu.memref_slice %arg11[%run_scoped3A, %dma_start3A_90] : memref<81x128xi32, #tpu.memory_space<vmem>> -> memref<1x128xi32, #tpu.memory_space<vmem>>
        %dma_start3A_92 = tpu.memref_squeeze %dma_start3A_91 : memref<1x128xi32, #tpu.memory_space<vmem>> -> memref<128xi32, #tpu.memory_space<vmem>>
        %dma_start3A_93 = arith.constant 0 : i32
        %dma_start3A_94 = tpu.memref_slice %arg11[%run_scoped3A, %dma_start3A_93] : memref<81x128xi32, #tpu.memory_space<vmem>> -> memref<1x128xi32, #tpu.memory_space<vmem>>
        %dma_start3A_95 = tpu.memref_squeeze %dma_start3A_94 : memref<1x128xi32, #tpu.memory_space<vmem>> -> memref<128xi32, #tpu.memory_space<vmem>>
        tpu.enqueue_dma source(%arg7 : memref<128xi32, #tpu.memory_space<hbm>>) target(%dma_start3A_95 : memref<128xi32, #tpu.memory_space<vmem>>) target_semaphore(%run_scoped3A_89 : memref<!tpu.dma_semaphore, #tpu.memory_space<semaphore_mem>>)
        %dma_wait3A = arith.constant 0 : i32
        %dma_wait3A_96 = tpu.memref_slice %arg11[%run_scoped3A, %dma_wait3A] : memref<81x128xi32, #tpu.memory_space<vmem>> -> memref<1x128xi32, #tpu.memory_space<vmem>>
        %dma_wait3A_97 = tpu.memref_squeeze %dma_wait3A_96 : memref<1x128xi32, #tpu.memory_space<vmem>> -> memref<128xi32, #tpu.memory_space<vmem>>
        %dma_wait3A_98 = arith.constant 0 : i32
        %dma_wait3A_99 = tpu.memref_slice %arg11[%run_scoped3A, %dma_wait3A_98] : memref<81x128xi32, #tpu.memory_space<vmem>> -> memref<1x128xi32, #tpu.memory_space<vmem>>
        %dma_wait3A_100 = tpu.memref_squeeze %dma_wait3A_99 : memref<1x128xi32, #tpu.memory_space<vmem>> -> memref<128xi32, #tpu.memory_space<vmem>>
        tpu.wait_dma2 semaphore(%run_scoped3A_89 : memref<!tpu.dma_semaphore, #tpu.memory_space<semaphore_mem>>) src(%arg7 : memref<128xi32, #tpu.memory_space<hbm>>) dst(%dma_wait3A_100 : memref<128xi32, #tpu.memory_space<vmem>>)
        tpu.yield
      }) : () -> ()
      %add3A_75 = arith.constant 9600 : i32
      %add3A_76 = arith.addi %select_n3A, %add3A_75 : i32
      %dma_start3A_77 = arith.constant 1 : i32
      %dma_start3A_78 = arith.constant 75 : i32
      %dma_start3A_79 = arith.constant 0 : i32
      %dma_start3A_80 = tpu.memref_slice %arg11[%dma_start3A_78, %dma_start3A_79] : memref<81x128xi32, #tpu.memory_space<vmem>> -> memref<1x32xi32, #tpu.memory_space<vmem>>
      %dma_start3A_81 = tpu.memref_squeeze %dma_start3A_80 : memref<1x32xi32, #tpu.memory_space<vmem>> -> memref<32xi32, #tpu.memory_space<vmem>>
      %dma_start3A_82 = tpu.memref_slice %arg2[%dma_start3A_77, %add3A_76] : memref<2x320000xi32, #tpu.memory_space<hbm>> -> memref<1x32xi32, #tpu.memory_space<hbm>>
      %dma_start3A_83 = tpu.memref_squeeze %dma_start3A_82 : memref<1x32xi32, #tpu.memory_space<hbm>> -> memref<32xi32, #tpu.memory_space<hbm>>
      %dma_start3A_84 = arith.constant 0 : i32
      %dma_start3A_85 = tpu.memref_slice %arg11[%dma_start3A_78, %dma_start3A_84] : memref<81x128xi32, #tpu.memory_space<vmem>> -> memref<1x32xi32, #tpu.memory_space<vmem>>
      %dma_start3A_86 = tpu.memref_squeeze %dma_start3A_85 : memref<1x32xi32, #tpu.memory_space<vmem>> -> memref<32xi32, #tpu.memory_space<vmem>>
      %dma_start3A_87 = tpu.memref_slice %arg2[%dma_start3A_77, %add3A_76] : memref<2x320000xi32, #tpu.memory_space<hbm>> -> memref<1x32xi32, #tpu.memory_space<hbm>>
      %dma_start3A_88 = tpu.memref_squeeze %dma_start3A_87 : memref<1x32xi32, #tpu.memory_space<hbm>> -> memref<32xi32, #tpu.memory_space<hbm>>
      tpu.enqueue_dma source(%dma_start3A_88 : memref<32xi32, #tpu.memory_space<hbm>>) target(%dma_start3A_86 : memref<32xi32, #tpu.memory_space<vmem>>) target_semaphore(%arg18 : memref<!tpu.dma_semaphore, #tpu.memory_space<semaphore_mem>>)
    } else {
    }
    %while3A_31 = arith.constant 0 : i32
    %while3A_32 = arith.constant 0 : i32
    %while3A_33 = arith.subi %select_n3A_16, %while3A_32 : i32
    %while3A_34 = arith.addi %while3A_32, %while3A_33 : i32
    %while3A_35 = arith.constant 1 : i32
    %while3A_36 = arith.divsi %while3A_33, %while3A_35 : i32
    %while3A_37 = arith.muli %while3A_36, %while3A_35 : i32
    %while3A_38 = arith.addi %while3A_32, %while3A_37 : i32
    %while3A_39 = arith.constant 1 : i32
    scf.for %while3A_75 = %while3A_32 to %while3A_38 step %while3A_39  : i32 {
      %mul3A_76 = arith.constant 128 : i32
      %mul3A_77 = arith.muli %while3A_75, %mul3A_76 : i32
      %add3A_78 = arith.addi %select_n3A, %mul3A_77 : i32
      %dma_wait3A = arith.constant 1 : i32
      %dma_wait3A_79 = arith.constant 0 : i32
      %dma_wait3A_80 = tpu.memref_slice %arg11[%while3A_75, %dma_wait3A_79] : memref<81x128xi32, #tpu.memory_space<vmem>> -> memref<1x128xi32, #tpu.memory_space<vmem>>
      %dma_wait3A_81 = tpu.memref_squeeze %dma_wait3A_80 : memref<1x128xi32, #tpu.memory_space<vmem>> -> memref<128xi32, #tpu.memory_space<vmem>>
      %dma_wait3A_82 = tpu.memref_slice %arg2[%dma_wait3A, %add3A_78] : memref<2x320000xi32, #tpu.memory_space<hbm>> -> memref<1x128xi32, #tpu.memory_space<hbm>>
      %dma_wait3A_83 = tpu.memref_squeeze %dma_wait3A_82 : memref<1x128xi32, #tpu.memory_space<hbm>> -> memref<128xi32, #tpu.memory_space<hbm>>
      %dma_wait3A_84 = arith.constant 0 : i32
      %dma_wait3A_85 = tpu.memref_slice %arg11[%while3A_75, %dma_wait3A_84] : memref<81x128xi32, #tpu.memory_space<vmem>> -> memref<1x128xi32, #tpu.memory_space<vmem>>
      %dma_wait3A_86 = tpu.memref_squeeze %dma_wait3A_85 : memref<1x128xi32, #tpu.memory_space<vmem>> -> memref<128xi32, #tpu.memory_space<vmem>>
      %dma_wait3A_87 = tpu.memref_slice %arg2[%dma_wait3A, %add3A_78] : memref<2x320000xi32, #tpu.memory_space<hbm>> -> memref<1x128xi32, #tpu.memory_space<hbm>>
      %dma_wait3A_88 = tpu.memref_squeeze %dma_wait3A_87 : memref<1x128xi32, #tpu.memory_space<hbm>> -> memref<128xi32, #tpu.memory_space<hbm>>
      tpu.wait_dma2 semaphore(%arg18 : memref<!tpu.dma_semaphore, #tpu.memory_space<semaphore_mem>>) src(%dma_wait3A_88 : memref<128xi32, #tpu.memory_space<hbm>>) dst(%dma_wait3A_86 : memref<128xi32, #tpu.memory_space<vmem>>)
    }
    %while3A_40 = arith.constant 1 : i32
    scf.for %while3A_75 = %while3A_38 to %while3A_34 step %while3A_40  : i32 {
      %mul3A_76 = arith.constant 128 : i32
      %mul3A_77 = arith.muli %while3A_75, %mul3A_76 : i32
      %add3A_78 = arith.addi %select_n3A, %mul3A_77 : i32
      %dma_wait3A = arith.constant 1 : i32
      %dma_wait3A_79 = arith.constant 0 : i32
      %dma_wait3A_80 = tpu.memref_slice %arg11[%while3A_75, %dma_wait3A_79] : memref<81x128xi32, #tpu.memory_space<vmem>> -> memref<1x128xi32, #tpu.memory_space<vmem>>
      %dma_wait3A_81 = tpu.memref_squeeze %dma_wait3A_80 : memref<1x128xi32, #tpu.memory_space<vmem>> -> memref<128xi32, #tpu.memory_space<vmem>>
      %dma_wait3A_82 = tpu.memref_slice %arg2[%dma_wait3A, %add3A_78] : memref<2x320000xi32, #tpu.memory_space<hbm>> -> memref<1x128xi32, #tpu.memory_space<hbm>>
      %dma_wait3A_83 = tpu.memref_squeeze %dma_wait3A_82 : memref<1x128xi32, #tpu.memory_space<hbm>> -> memref<128xi32, #tpu.memory_space<hbm>>
      %dma_wait3A_84 = arith.constant 0 : i32
      %dma_wait3A_85 = tpu.memref_slice %arg11[%while3A_75, %dma_wait3A_84] : memref<81x128xi32, #tpu.memory_space<vmem>> -> memref<1x128xi32, #tpu.memory_space<vmem>>
      %dma_wait3A_86 = tpu.memref_squeeze %dma_wait3A_85 : memref<1x128xi32, #tpu.memory_space<vmem>> -> memref<128xi32, #tpu.memory_space<vmem>>
      %dma_wait3A_87 = tpu.memref_slice %arg2[%dma_wait3A, %add3A_78] : memref<2x320000xi32, #tpu.memory_space<hbm>> -> memref<1x128xi32, #tpu.memory_space<hbm>>
      %dma_wait3A_88 = tpu.memref_squeeze %dma_wait3A_87 : memref<1x128xi32, #tpu.memory_space<hbm>> -> memref<128xi32, #tpu.memory_space<hbm>>
      tpu.wait_dma2 semaphore(%arg18 : memref<!tpu.dma_semaphore, #tpu.memory_space<semaphore_mem>>) src(%dma_wait3A_88 : memref<128xi32, #tpu.memory_space<hbm>>) dst(%dma_wait3A_86 : memref<128xi32, #tpu.memory_space<vmem>>)
    }
    %not3A_41 = arith.constant true
    %not3A_42 = arith.xori %eq3A_1, %not3A_41 : i1
    %convert_element_type3A_43 = arith.extui %not3A_42 : i1 to i32
    %cond3A_44 = arith.constant 0 : i32
    %cond3A_45 = arith.cmpi ne, %convert_element_type3A_43, %cond3A_44 : i32
    scf.if %cond3A_45 {
      %add3A_75 = arith.constant 9600 : i32
      %add3A_76 = arith.addi %select_n3A, %add3A_75 : i32
      %dma_wait3A = arith.constant 1 : i32
      %dma_wait3A_77 = arith.constant 75 : i32
      %dma_wait3A_78 = arith.constant 0 : i32
      %dma_wait3A_79 = tpu.memref_slice %arg11[%dma_wait3A_77, %dma_wait3A_78] : memref<81x128xi32, #tpu.memory_space<vmem>> -> memref<1x32xi32, #tpu.memory_space<vmem>>
      %dma_wait3A_80 = tpu.memref_squeeze %dma_wait3A_79 : memref<1x32xi32, #tpu.memory_space<vmem>> -> memref<32xi32, #tpu.memory_space<vmem>>
      %dma_wait3A_81 = tpu.memref_slice %arg2[%dma_wait3A, %add3A_76] : memref<2x320000xi32, #tpu.memory_space<hbm>> -> memref<1x32xi32, #tpu.memory_space<hbm>>
      %dma_wait3A_82 = tpu.memref_squeeze %dma_wait3A_81 : memref<1x32xi32, #tpu.memory_space<hbm>> -> memref<32xi32, #tpu.memory_space<hbm>>
      %dma_wait3A_83 = arith.constant 0 : i32
      %dma_wait3A_84 = tpu.memref_slice %arg11[%dma_wait3A_77, %dma_wait3A_83] : memref<81x128xi32, #tpu.memory_space<vmem>> -> memref<1x32xi32, #tpu.memory_space<vmem>>
      %dma_wait3A_85 = tpu.memref_squeeze %dma_wait3A_84 : memref<1x32xi32, #tpu.memory_space<vmem>> -> memref<32xi32, #tpu.memory_space<vmem>>
      %dma_wait3A_86 = tpu.memref_slice %arg2[%dma_wait3A, %add3A_76] : memref<2x320000xi32, #tpu.memory_space<hbm>> -> memref<1x32xi32, #tpu.memory_space<hbm>>
      %dma_wait3A_87 = tpu.memref_squeeze %dma_wait3A_86 : memref<1x32xi32, #tpu.memory_space<hbm>> -> memref<32xi32, #tpu.memory_space<hbm>>
      tpu.wait_dma2 semaphore(%arg18 : memref<!tpu.dma_semaphore, #tpu.memory_space<semaphore_mem>>) src(%dma_wait3A_87 : memref<32xi32, #tpu.memory_space<hbm>>) dst(%dma_wait3A_85 : memref<32xi32, #tpu.memory_space<vmem>>)
    } else {
    }
    %lt3A = arith.constant 15 : i32
    %lt3A_46 = arith.cmpi slt, %arg1, %lt3A : i32
    %convert_element_type3A_47 = arith.extui %lt3A_46 : i1 to i32
    %cond3A_48 = arith.constant 0 : i32
    %cond3A_49 = arith.cmpi ne, %convert_element_type3A_47, %cond3A_48 : i32
    scf.if %cond3A_49 {
      %mul3A_75 = arith.constant 632 : i32
      %mul3A_76 = arith.muli %arg1, %mul3A_75 : i32
      "tpu.region"() ({
        %run_scoped3A = tpu.sem_alloc : memref<!tpu.dma_semaphore, #tpu.memory_space<semaphore_mem>>
        %dma_start3A_77 = arith.constant 0 : i32
        %dma_start3A_78 = tpu.memref_slice %arg16[%mul3A_76, %dma_start3A_77] : memref<10112x16xf32, #tpu.memory_space<vmem_shared>> -> memref<632x16xf32, #tpu.memory_space<vmem_shared>>
        %dma_start3A_79 = arith.constant 0 : i32
        %dma_start3A_80 = tpu.memref_slice %arg3[%mul3A_76, %dma_start3A_79] : memref<10000x16xf32, #tpu.memory_space<hbm>> -> memref<632x16xf32, #tpu.memory_space<hbm>>
        tpu.enqueue_dma source(%dma_start3A_80 : memref<632x16xf32, #tpu.memory_space<hbm>>) target(%dma_start3A_78 : memref<632x16xf32, #tpu.memory_space<vmem_shared>>) target_semaphore(%run_scoped3A : memref<!tpu.dma_semaphore, #tpu.memory_space<semaphore_mem>>)
        %dma_wait3A = arith.constant 0 : i32
        %dma_wait3A_81 = tpu.memref_slice %arg16[%mul3A_76, %dma_wait3A] : memref<10112x16xf32, #tpu.memory_space<vmem_shared>> -> memref<632x16xf32, #tpu.memory_space<vmem_shared>>
        %dma_wait3A_82 = arith.constant 0 : i32
        %dma_wait3A_83 = tpu.memref_slice %arg3[%mul3A_76, %dma_wait3A_82] : memref<10000x16xf32, #tpu.memory_space<hbm>> -> memref<632x16xf32, #tpu.memory_space<hbm>>
        tpu.wait_dma2 semaphore(%run_scoped3A : memref<!tpu.dma_semaphore, #tpu.memory_space<semaphore_mem>>) src(%dma_wait3A_83 : memref<632x16xf32, #tpu.memory_space<hbm>>) dst(%dma_wait3A_81 : memref<632x16xf32, #tpu.memory_space<vmem_shared>>)
        tpu.yield
      }) : () -> ()
    } else {
    }
    %eq3A_50 = arith.constant 15 : i32
    %eq3A_51 = arith.cmpi eq, %arg1, %eq3A_50 : i32
    %convert_element_type3A_52 = arith.extui %eq3A_51 : i1 to i32
    %cond3A_53 = arith.constant 0 : i32
    %cond3A_54 = arith.cmpi ne, %convert_element_type3A_52, %cond3A_53 : i32
    scf.if %cond3A_54 {
      "tpu.region"() ({
        %run_scoped3A = tpu.sem_alloc : memref<!tpu.dma_semaphore, #tpu.memory_space<semaphore_mem>>
        %dma_start3A_75 = arith.constant 9480 : i32
        %dma_start3A_76 = arith.constant 0 : i32
        %dma_start3A_77 = tpu.memref_slice %arg16[%dma_start3A_75, %dma_start3A_76] : memref<10112x16xf32, #tpu.memory_space<vmem_shared>> -> memref<520x16xf32, #tpu.memory_space<vmem_shared>>
        %dma_start3A_78 = arith.constant 9480 : i32
        %dma_start3A_79 = arith.constant 0 : i32
        %dma_start3A_80 = tpu.memref_slice %arg3[%dma_start3A_78, %dma_start3A_79] : memref<10000x16xf32, #tpu.memory_space<hbm>> -> memref<520x16xf32, #tpu.memory_space<hbm>>
        tpu.enqueue_dma source(%dma_start3A_80 : memref<520x16xf32, #tpu.memory_space<hbm>>) target(%dma_start3A_77 : memref<520x16xf32, #tpu.memory_space<vmem_shared>>) target_semaphore(%run_scoped3A : memref<!tpu.dma_semaphore, #tpu.memory_space<semaphore_mem>>)
        %dma_wait3A = arith.constant 9480 : i32
        %dma_wait3A_81 = arith.constant 0 : i32
        %dma_wait3A_82 = tpu.memref_slice %arg16[%dma_wait3A, %dma_wait3A_81] : memref<10112x16xf32, #tpu.memory_space<vmem_shared>> -> memref<520x16xf32, #tpu.memory_space<vmem_shared>>
        %dma_wait3A_83 = arith.constant 9480 : i32
        %dma_wait3A_84 = arith.constant 0 : i32
        %dma_wait3A_85 = tpu.memref_slice %arg3[%dma_wait3A_83, %dma_wait3A_84] : memref<10000x16xf32, #tpu.memory_space<hbm>> -> memref<520x16xf32, #tpu.memory_space<hbm>>
        tpu.wait_dma2 semaphore(%run_scoped3A : memref<!tpu.dma_semaphore, #tpu.memory_space<semaphore_mem>>) src(%dma_wait3A_85 : memref<520x16xf32, #tpu.memory_space<hbm>>) dst(%dma_wait3A_82 : memref<520x16xf32, #tpu.memory_space<vmem_shared>>)
        tpu.yield
      }) : () -> ()
    } else {
    }
    %barrier3A = arith.constant 0 : index
    tpu.barrier barrier_id(%barrier3A)
    %dma_start3A = arith.constant 0 : i32
    %dma_start3A_55 = arith.constant 0 : i32
    %dma_start3A_56 = arith.constant 0 : i32
    %dma_start3A_57 = tpu.memref_slice %arg12[%dma_start3A, %dma_start3A_55, %dma_start3A_56] : memref<2x128x16xf32, #tpu.memory_space<vmem>> -> memref<1x128x16xf32, #tpu.memory_space<vmem>>
    %dma_start3A_58 = tpu.memref_squeeze %dma_start3A_57 : memref<1x128x16xf32, #tpu.memory_space<vmem>> -> memref<128x16xf32, #tpu.memory_space<vmem>>
    %dma_start3A_59 = arith.constant 0 : i32
    %dma_start3A_60 = tpu.memref_slice %arg10[%dma_start3A_59] : memref<10368xi32, #tpu.memory_space<vmem>> -> memref<128xi32, #tpu.memory_space<vmem>>
    %dma_start3A_61 = arith.constant 0 : i32
    %dma_start3A_62 = arith.constant 0 : i32
    %dma_start3A_63 = tpu.memref_slice %arg16[%dma_start3A_61, %dma_start3A_62] : memref<10112x16xf32, #tpu.memory_space<vmem_shared>> -> memref<10112x16xf32, #tpu.memory_space<vmem_shared>>
    tpu.enqueue_indirect_dma source(%dma_start3A_63 : memref<10112x16xf32, #tpu.memory_space<vmem_shared>>) target(%dma_start3A_58 : memref<128x16xf32, #tpu.memory_space<vmem>>) offsets(%dma_start3A_60 : memref<128xi32, #tpu.memory_space<vmem>>) semaphore(%arg17 : memref<!tpu.dma_semaphore, #tpu.memory_space<semaphore_mem>>)
    %while3A_64 = arith.constant 0 : i32
    %while3A_65 = arith.constant 0 : i32
    %while3A_66 = arith.subi %select_n3A_8, %while3A_65 : i32
    %while3A_67 = arith.addi %while3A_65, %while3A_66 : i32
    %while3A_68 = arith.constant 1 : i32
    %while3A_69 = arith.divsi %while3A_66, %while3A_68 : i32
    %while3A_70 = arith.muli %while3A_69, %while3A_68 : i32
    %while3A_71 = arith.addi %while3A_65, %while3A_70 : i32
    %while3A_72 = arith.constant 1 : i32
    scf.for %while3A_75 = %while3A_65 to %while3A_71 step %while3A_72  : i32 {
      %add3A_76 = arith.constant 1 : i32
      %add3A_77 = arith.addi %while3A_75, %add3A_76 : i32
      %lt3A_78 = arith.cmpi slt, %add3A_77, %select_n3A_8 : i32
      %convert_element_type3A_79 = arith.extui %lt3A_78 : i1 to i32
      %cond3A_80 = arith.constant 0 : i32
      %cond3A_81 = arith.cmpi ne, %convert_element_type3A_79, %cond3A_80 : i32
      scf.if %cond3A_81 {
        %mul3A_120 = arith.constant 128 : i32
        %mul3A_121 = arith.muli %add3A_77, %mul3A_120 : i32
        %jit3A_122 = arith.constant 2 : i32
        %eq3A_123 = arith.constant 0 : i32
        %eq3A_124 = arith.cmpi eq, %jit3A_122, %eq3A_123 : i32
        %jit3A_125 = arith.constant 1 : i32
        %select_n3A_126 = arith.select %eq3A_124, %jit3A_125, %jit3A_122 : i32
        %rem3A_127 = arith.remsi %add3A_77, %select_n3A_126 : i32
        %ne3A_128 = arith.constant 0 : i32
        %ne3A_129 = arith.cmpi ne, %rem3A_127, %ne3A_128 : i32
        %lt3A_130 = arith.constant 0 : i32
        %lt3A_131 = arith.cmpi slt, %rem3A_127, %lt3A_130 : i32
        %lt3A_132 = arith.constant 0 : i32
        %lt3A_133 = arith.cmpi slt, %select_n3A_126, %lt3A_132 : i32
        %ne3A_134 = arith.xori %lt3A_131, %lt3A_133 : i1
        %and3A_135 = arith.andi %ne3A_134, %ne3A_129 : i1
        %add3A_136 = arith.addi %rem3A_127, %select_n3A_126 : i32
        %select_n3A_137 = arith.select %and3A_135, %add3A_136, %rem3A_127 : i32
        %dma_start3A_138 = arith.constant 0 : i32
        %dma_start3A_139 = arith.constant 0 : i32
        %dma_start3A_140 = tpu.memref_slice %arg12[%select_n3A_137, %dma_start3A_138, %dma_start3A_139] : memref<2x128x16xf32, #tpu.memory_space<vmem>> -> memref<1x128x16xf32, #tpu.memory_space<vmem>>
        %dma_start3A_141 = tpu.memref_squeeze %dma_start3A_140 : memref<1x128x16xf32, #tpu.memory_space<vmem>> -> memref<128x16xf32, #tpu.memory_space<vmem>>
        %dma_start3A_142 = tpu.memref_slice %arg10[%mul3A_121] : memref<10368xi32, #tpu.memory_space<vmem>> -> memref<128xi32, #tpu.memory_space<vmem>>
        %dma_start3A_143 = arith.constant 0 : i32
        %dma_start3A_144 = arith.constant 0 : i32
        %dma_start3A_145 = tpu.memref_slice %arg16[%dma_start3A_143, %dma_start3A_144] : memref<10112x16xf32, #tpu.memory_space<vmem_shared>> -> memref<10112x16xf32, #tpu.memory_space<vmem_shared>>
        tpu.enqueue_indirect_dma source(%dma_start3A_145 : memref<10112x16xf32, #tpu.memory_space<vmem_shared>>) target(%dma_start3A_141 : memref<128x16xf32, #tpu.memory_space<vmem>>) offsets(%dma_start3A_142 : memref<128xi32, #tpu.memory_space<vmem>>) semaphore(%arg17 : memref<!tpu.dma_semaphore, #tpu.memory_space<semaphore_mem>>)
      } else {
      }
      %mul3A_82 = arith.constant 128 : i32
      %mul3A_83 = arith.muli %while3A_75, %mul3A_82 : i32
      %jit3A_84 = arith.constant 2 : i32
      %eq3A_85 = arith.constant 0 : i32
      %eq3A_86 = arith.cmpi eq, %jit3A_84, %eq3A_85 : i32
      %jit3A_87 = arith.constant 1 : i32
      %select_n3A_88 = arith.select %eq3A_86, %jit3A_87, %jit3A_84 : i32
      %rem3A = arith.remsi %while3A_75, %select_n3A_88 : i32
      %ne3A = arith.constant 0 : i32
      %ne3A_89 = arith.cmpi ne, %rem3A, %ne3A : i32
      %lt3A_90 = arith.constant 0 : i32
      %lt3A_91 = arith.cmpi slt, %rem3A, %lt3A_90 : i32
      %lt3A_92 = arith.constant 0 : i32
      %lt3A_93 = arith.cmpi slt, %select_n3A_88, %lt3A_92 : i32
      %ne3A_94 = arith.xori %lt3A_91, %lt3A_93 : i1
      %and3A = arith.andi %ne3A_94, %ne3A_89 : i1
      %add3A_95 = arith.addi %rem3A, %select_n3A_88 : i32
      %select_n3A_96 = arith.select %and3A, %add3A_95, %rem3A : i32
      %dma_wait3A = arith.constant 0 : i32
      %dma_wait3A_97 = arith.constant 0 : i32
      %dma_wait3A_98 = tpu.memref_slice %arg12[%select_n3A_96, %dma_wait3A, %dma_wait3A_97] : memref<2x128x16xf32, #tpu.memory_space<vmem>> -> memref<1x128x16xf32, #tpu.memory_space<vmem>>
      %dma_wait3A_99 = tpu.memref_squeeze %dma_wait3A_98 : memref<1x128x16xf32, #tpu.memory_space<vmem>> -> memref<128x16xf32, #tpu.memory_space<vmem>>
      %dma_wait3A_100 = tpu.memref_slice %arg10[%mul3A_83] : memref<10368xi32, #tpu.memory_space<vmem>> -> memref<128xi32, #tpu.memory_space<vmem>>
      %dma_wait3A_101 = arith.constant 0 : i32
      %dma_wait3A_102 = arith.constant 0 : i32
      %dma_wait3A_103 = tpu.memref_slice %arg16[%dma_wait3A_101, %dma_wait3A_102] : memref<10112x16xf32, #tpu.memory_space<vmem_shared>> -> memref<10112x16xf32, #tpu.memory_space<vmem_shared>>
      tpu.wait_indirect_dma semaphore(%arg17 : memref<!tpu.dma_semaphore, #tpu.memory_space<semaphore_mem>>) src(%dma_wait3A_103 : memref<10112x16xf32, #tpu.memory_space<vmem_shared>>) dst(%dma_wait3A_99 : memref<128x16xf32, #tpu.memory_space<vmem>>)
      %jit3A_104 = arith.constant 2 : i32
      %eq3A_105 = arith.constant 0 : i32
      %eq3A_106 = arith.cmpi eq, %jit3A_104, %eq3A_105 : i32
      %jit3A_107 = arith.constant 1 : i32
      %select_n3A_108 = arith.select %eq3A_106, %jit3A_107, %jit3A_104 : i32
      %rem3A_109 = arith.remsi %while3A_75, %select_n3A_108 : i32
      %ne3A_110 = arith.constant 0 : i32
      %ne3A_111 = arith.cmpi ne, %rem3A_109, %ne3A_110 : i32
      %lt3A_112 = arith.constant 0 : i32
      %lt3A_113 = arith.cmpi slt, %rem3A_109, %lt3A_112 : i32
      %lt3A_114 = arith.constant 0 : i32
      %lt3A_115 = arith.cmpi slt, %select_n3A_108, %lt3A_114 : i32
      %ne3A_116 = arith.xori %lt3A_113, %lt3A_115 : i1
      %and3A_117 = arith.andi %ne3A_116, %ne3A_111 : i1
      %add3A_118 = arith.addi %rem3A_109, %select_n3A_108 : i32
      %select_n3A_119 = arith.select %and3A_117, %add3A_118, %rem3A_109 : i32
      "tpu.region"() ({
        %run_scoped3A = tpu.sem_alloc : memref<!tpu.dma_semaphore, #tpu.memory_space<semaphore_mem>>
        %dma_start3A_120 = arith.constant 0 : i32
        %dma_start3A_121 = arith.constant 0 : i32
        %dma_start3A_122 = tpu.memref_slice %arg12[%select_n3A_119, %dma_start3A_120, %dma_start3A_121] : memref<2x128x16xf32, #tpu.memory_space<vmem>> -> memref<1x128x16xf32, #tpu.memory_space<vmem>>
        %dma_start3A_123 = tpu.memref_squeeze %dma_start3A_122 : memref<1x128x16xf32, #tpu.memory_space<vmem>> -> memref<128x16xf32, #tpu.memory_space<vmem>>
        %dma_start3A_124 = arith.constant 0 : i32
        %dma_start3A_125 = tpu.memref_slice %arg11[%while3A_75, %dma_start3A_124] : memref<81x128xi32, #tpu.memory_space<vmem>> -> memref<1x128xi32, #tpu.memory_space<vmem>>
        %dma_start3A_126 = tpu.memref_squeeze %dma_start3A_125 : memref<1x128xi32, #tpu.memory_space<vmem>> -> memref<128xi32, #tpu.memory_space<vmem>>
        %dma_start3A_127 = arith.constant 0 : i32
        %dma_start3A_128 = arith.constant 0 : i32
        %dma_start3A_129 = tpu.memref_slice %arg14[%dma_start3A_127, %dma_start3A_128] : memref<10112x16xf32, #tpu.memory_space<vmem_shared>> -> memref<10112x16xf32, #tpu.memory_space<vmem_shared>>
        tpu.enqueue_indirect_dma source(%dma_start3A_123 : memref<128x16xf32, #tpu.memory_space<vmem>>) target(%dma_start3A_129 : memref<10112x16xf32, #tpu.memory_space<vmem_shared>>) offsets(%dma_start3A_126 : memref<128xi32, #tpu.memory_space<vmem>>) semaphore(%run_scoped3A : memref<!tpu.dma_semaphore, #tpu.memory_space<semaphore_mem>>) {add = true}
        %dma_wait3A_130 = arith.constant 0 : i32
        %dma_wait3A_131 = arith.constant 0 : i32
        %dma_wait3A_132 = tpu.memref_slice %arg12[%select_n3A_119, %dma_wait3A_130, %dma_wait3A_131] : memref<2x128x16xf32, #tpu.memory_space<vmem>> -> memref<1x128x16xf32, #tpu.memory_space<vmem>>
        %dma_wait3A_133 = tpu.memref_squeeze %dma_wait3A_132 : memref<1x128x16xf32, #tpu.memory_space<vmem>> -> memref<128x16xf32, #tpu.memory_space<vmem>>
        %dma_wait3A_134 = arith.constant 0 : i32
        %dma_wait3A_135 = tpu.memref_slice %arg11[%while3A_75, %dma_wait3A_134] : memref<81x128xi32, #tpu.memory_space<vmem>> -> memref<1x128xi32, #tpu.memory_space<vmem>>
        %dma_wait3A_136 = tpu.memref_squeeze %dma_wait3A_135 : memref<1x128xi32, #tpu.memory_space<vmem>> -> memref<128xi32, #tpu.memory_space<vmem>>
        %dma_wait3A_137 = arith.constant 0 : i32
        %dma_wait3A_138 = arith.constant 0 : i32
        %dma_wait3A_139 = tpu.memref_slice %arg14[%dma_wait3A_137, %dma_wait3A_138] : memref<10112x16xf32, #tpu.memory_space<vmem_shared>> -> memref<10112x16xf32, #tpu.memory_space<vmem_shared>>
        tpu.wait_indirect_dma semaphore(%run_scoped3A : memref<!tpu.dma_semaphore, #tpu.memory_space<semaphore_mem>>) src(%dma_wait3A_133 : memref<128x16xf32, #tpu.memory_space<vmem>>) dst(%dma_wait3A_139 : memref<10112x16xf32, #tpu.memory_space<vmem_shared>>)
        tpu.yield
      }) : () -> ()
      "tpu.region"() ({
        %run_scoped3A = tpu.sem_alloc : memref<!tpu.dma_semaphore, #tpu.memory_space<semaphore_mem>>
        %dma_start3A_120 = arith.constant 0 : i32
        %dma_start3A_121 = tpu.memref_slice %arg11[%while3A_75, %dma_start3A_120] : memref<81x128xi32, #tpu.memory_space<vmem>> -> memref<1x128xi32, #tpu.memory_space<vmem>>
        %dma_start3A_122 = tpu.memref_squeeze %dma_start3A_121 : memref<1x128xi32, #tpu.memory_space<vmem>> -> memref<128xi32, #tpu.memory_space<vmem>>
        %dma_start3A_123 = arith.constant 0 : i32
        %dma_start3A_124 = arith.constant 0 : i32
        %dma_start3A_125 = tpu.memref_slice %arg15[%dma_start3A_123, %dma_start3A_124] : memref<10112x16xf32, #tpu.memory_space<vmem_shared>> -> memref<10112x16xf32, #tpu.memory_space<vmem_shared>>
        tpu.enqueue_indirect_dma source(%arg13 : memref<128x16xf32, #tpu.memory_space<vmem>>) target(%dma_start3A_125 : memref<10112x16xf32, #tpu.memory_space<vmem_shared>>) offsets(%dma_start3A_122 : memref<128xi32, #tpu.memory_space<vmem>>) semaphore(%run_scoped3A : memref<!tpu.dma_semaphore, #tpu.memory_space<semaphore_mem>>) {add = true}
        %dma_wait3A_126 = arith.constant 0 : i32
        %dma_wait3A_127 = tpu.memref_slice %arg11[%while3A_75, %dma_wait3A_126] : memref<81x128xi32, #tpu.memory_space<vmem>> -> memref<1x128xi32, #tpu.memory_space<vmem>>
        %dma_wait3A_128 = tpu.memref_squeeze %dma_wait3A_127 : memref<1x128xi32, #tpu.memory_space<vmem>> -> memref<128xi32, #tpu.memory_space<vmem>>
        %dma_wait3A_129 = arith.constant 0 : i32
        %dma_wait3A_130 = arith.constant 0 : i32
        %dma_wait3A_131 = tpu.memref_slice %arg15[%dma_wait3A_129, %dma_wait3A_130] : memref<10112x16xf32, #tpu.memory_space<vmem_shared>> -> memref<10112x16xf32, #tpu.memory_space<vmem_shared>>
        tpu.wait_indirect_dma semaphore(%run_scoped3A : memref<!tpu.dma_semaphore, #tpu.memory_space<semaphore_mem>>) src(%arg13 : memref<128x16xf32, #tpu.memory_space<vmem>>) dst(%dma_wait3A_131 : memref<10112x16xf32, #tpu.memory_space<vmem_shared>>)
        tpu.yield
      }) : () -> ()
    }
    %while3A_73 = arith.constant 1 : i32
    scf.for %while3A_75 = %while3A_71 to %while3A_67 step %while3A_73  : i32 {
      %add3A_76 = arith.constant 1 : i32
      %add3A_77 = arith.addi %while3A_75, %add3A_76 : i32
      %lt3A_78 = arith.cmpi slt, %add3A_77, %select_n3A_8 : i32
      %convert_element_type3A_79 = arith.extui %lt3A_78 : i1 to i32
      %cond3A_80 = arith.constant 0 : i32
      %cond3A_81 = arith.cmpi ne, %convert_element_type3A_79, %cond3A_80 : i32
      scf.if %cond3A_81 {
        %mul3A_120 = arith.constant 128 : i32
        %mul3A_121 = arith.muli %add3A_77, %mul3A_120 : i32
        %jit3A_122 = arith.constant 2 : i32
        %eq3A_123 = arith.constant 0 : i32
        %eq3A_124 = arith.cmpi eq, %jit3A_122, %eq3A_123 : i32
        %jit3A_125 = arith.constant 1 : i32
        %select_n3A_126 = arith.select %eq3A_124, %jit3A_125, %jit3A_122 : i32
        %rem3A_127 = arith.remsi %add3A_77, %select_n3A_126 : i32
        %ne3A_128 = arith.constant 0 : i32
        %ne3A_129 = arith.cmpi ne, %rem3A_127, %ne3A_128 : i32
        %lt3A_130 = arith.constant 0 : i32
        %lt3A_131 = arith.cmpi slt, %rem3A_127, %lt3A_130 : i32
        %lt3A_132 = arith.constant 0 : i32
        %lt3A_133 = arith.cmpi slt, %select_n3A_126, %lt3A_132 : i32
        %ne3A_134 = arith.xori %lt3A_131, %lt3A_133 : i1
        %and3A_135 = arith.andi %ne3A_134, %ne3A_129 : i1
        %add3A_136 = arith.addi %rem3A_127, %select_n3A_126 : i32
        %select_n3A_137 = arith.select %and3A_135, %add3A_136, %rem3A_127 : i32
        %dma_start3A_138 = arith.constant 0 : i32
        %dma_start3A_139 = arith.constant 0 : i32
        %dma_start3A_140 = tpu.memref_slice %arg12[%select_n3A_137, %dma_start3A_138, %dma_start3A_139] : memref<2x128x16xf32, #tpu.memory_space<vmem>> -> memref<1x128x16xf32, #tpu.memory_space<vmem>>
        %dma_start3A_141 = tpu.memref_squeeze %dma_start3A_140 : memref<1x128x16xf32, #tpu.memory_space<vmem>> -> memref<128x16xf32, #tpu.memory_space<vmem>>
        %dma_start3A_142 = tpu.memref_slice %arg10[%mul3A_121] : memref<10368xi32, #tpu.memory_space<vmem>> -> memref<128xi32, #tpu.memory_space<vmem>>
        %dma_start3A_143 = arith.constant 0 : i32
        %dma_start3A_144 = arith.constant 0 : i32
        %dma_start3A_145 = tpu.memref_slice %arg16[%dma_start3A_143, %dma_start3A_144] : memref<10112x16xf32, #tpu.memory_space<vmem_shared>> -> memref<10112x16xf32, #tpu.memory_space<vmem_shared>>
        tpu.enqueue_indirect_dma source(%dma_start3A_145 : memref<10112x16xf32, #tpu.memory_space<vmem_shared>>) target(%dma_start3A_141 : memref<128x16xf32, #tpu.memory_space<vmem>>) offsets(%dma_start3A_142 : memref<128xi32, #tpu.memory_space<vmem>>) semaphore(%arg17 : memref<!tpu.dma_semaphore, #tpu.memory_space<semaphore_mem>>)
      } else {
      }
      %mul3A_82 = arith.constant 128 : i32
      %mul3A_83 = arith.muli %while3A_75, %mul3A_82 : i32
      %jit3A_84 = arith.constant 2 : i32
      %eq3A_85 = arith.constant 0 : i32
      %eq3A_86 = arith.cmpi eq, %jit3A_84, %eq3A_85 : i32
      %jit3A_87 = arith.constant 1 : i32
      %select_n3A_88 = arith.select %eq3A_86, %jit3A_87, %jit3A_84 : i32
      %rem3A = arith.remsi %while3A_75, %select_n3A_88 : i32
      %ne3A = arith.constant 0 : i32
      %ne3A_89 = arith.cmpi ne, %rem3A, %ne3A : i32
      %lt3A_90 = arith.constant 0 : i32
      %lt3A_91 = arith.cmpi slt, %rem3A, %lt3A_90 : i32
      %lt3A_92 = arith.constant 0 : i32
      %lt3A_93 = arith.cmpi slt, %select_n3A_88, %lt3A_92 : i32
      %ne3A_94 = arith.xori %lt3A_91, %lt3A_93 : i1
      %and3A = arith.andi %ne3A_94, %ne3A_89 : i1
      %add3A_95 = arith.addi %rem3A, %select_n3A_88 : i32
      %select_n3A_96 = arith.select %and3A, %add3A_95, %rem3A : i32
      %dma_wait3A = arith.constant 0 : i32
      %dma_wait3A_97 = arith.constant 0 : i32
      %dma_wait3A_98 = tpu.memref_slice %arg12[%select_n3A_96, %dma_wait3A, %dma_wait3A_97] : memref<2x128x16xf32, #tpu.memory_space<vmem>> -> memref<1x128x16xf32, #tpu.memory_space<vmem>>
      %dma_wait3A_99 = tpu.memref_squeeze %dma_wait3A_98 : memref<1x128x16xf32, #tpu.memory_space<vmem>> -> memref<128x16xf32, #tpu.memory_space<vmem>>
      %dma_wait3A_100 = tpu.memref_slice %arg10[%mul3A_83] : memref<10368xi32, #tpu.memory_space<vmem>> -> memref<128xi32, #tpu.memory_space<vmem>>
      %dma_wait3A_101 = arith.constant 0 : i32
      %dma_wait3A_102 = arith.constant 0 : i32
      %dma_wait3A_103 = tpu.memref_slice %arg16[%dma_wait3A_101, %dma_wait3A_102] : memref<10112x16xf32, #tpu.memory_space<vmem_shared>> -> memref<10112x16xf32, #tpu.memory_space<vmem_shared>>
      tpu.wait_indirect_dma semaphore(%arg17 : memref<!tpu.dma_semaphore, #tpu.memory_space<semaphore_mem>>) src(%dma_wait3A_103 : memref<10112x16xf32, #tpu.memory_space<vmem_shared>>) dst(%dma_wait3A_99 : memref<128x16xf32, #tpu.memory_space<vmem>>)
      %jit3A_104 = arith.constant 2 : i32
      %eq3A_105 = arith.constant 0 : i32
      %eq3A_106 = arith.cmpi eq, %jit3A_104, %eq3A_105 : i32
      %jit3A_107 = arith.constant 1 : i32
      %select_n3A_108 = arith.select %eq3A_106, %jit3A_107, %jit3A_104 : i32
      %rem3A_109 = arith.remsi %while3A_75, %select_n3A_108 : i32
      %ne3A_110 = arith.constant 0 : i32
      %ne3A_111 = arith.cmpi ne, %rem3A_109, %ne3A_110 : i32
      %lt3A_112 = arith.constant 0 : i32
      %lt3A_113 = arith.cmpi slt, %rem3A_109, %lt3A_112 : i32
      %lt3A_114 = arith.constant 0 : i32
      %lt3A_115 = arith.cmpi slt, %select_n3A_108, %lt3A_114 : i32
      %ne3A_116 = arith.xori %lt3A_113, %lt3A_115 : i1
      %and3A_117 = arith.andi %ne3A_116, %ne3A_111 : i1
      %add3A_118 = arith.addi %rem3A_109, %select_n3A_108 : i32
      %select_n3A_119 = arith.select %and3A_117, %add3A_118, %rem3A_109 : i32
      "tpu.region"() ({
        %run_scoped3A = tpu.sem_alloc : memref<!tpu.dma_semaphore, #tpu.memory_space<semaphore_mem>>
        %dma_start3A_120 = arith.constant 0 : i32
        %dma_start3A_121 = arith.constant 0 : i32
        %dma_start3A_122 = tpu.memref_slice %arg12[%select_n3A_119, %dma_start3A_120, %dma_start3A_121] : memref<2x128x16xf32, #tpu.memory_space<vmem>> -> memref<1x128x16xf32, #tpu.memory_space<vmem>>
        %dma_start3A_123 = tpu.memref_squeeze %dma_start3A_122 : memref<1x128x16xf32, #tpu.memory_space<vmem>> -> memref<128x16xf32, #tpu.memory_space<vmem>>
        %dma_start3A_124 = arith.constant 0 : i32
        %dma_start3A_125 = tpu.memref_slice %arg11[%while3A_75, %dma_start3A_124] : memref<81x128xi32, #tpu.memory_space<vmem>> -> memref<1x128xi32, #tpu.memory_space<vmem>>
        %dma_start3A_126 = tpu.memref_squeeze %dma_start3A_125 : memref<1x128xi32, #tpu.memory_space<vmem>> -> memref<128xi32, #tpu.memory_space<vmem>>
        %dma_start3A_127 = arith.constant 0 : i32
        %dma_start3A_128 = arith.constant 0 : i32
        %dma_start3A_129 = tpu.memref_slice %arg14[%dma_start3A_127, %dma_start3A_128] : memref<10112x16xf32, #tpu.memory_space<vmem_shared>> -> memref<10112x16xf32, #tpu.memory_space<vmem_shared>>
        tpu.enqueue_indirect_dma source(%dma_start3A_123 : memref<128x16xf32, #tpu.memory_space<vmem>>) target(%dma_start3A_129 : memref<10112x16xf32, #tpu.memory_space<vmem_shared>>) offsets(%dma_start3A_126 : memref<128xi32, #tpu.memory_space<vmem>>) semaphore(%run_scoped3A : memref<!tpu.dma_semaphore, #tpu.memory_space<semaphore_mem>>) {add = true}
        %dma_wait3A_130 = arith.constant 0 : i32
        %dma_wait3A_131 = arith.constant 0 : i32
        %dma_wait3A_132 = tpu.memref_slice %arg12[%select_n3A_119, %dma_wait3A_130, %dma_wait3A_131] : memref<2x128x16xf32, #tpu.memory_space<vmem>> -> memref<1x128x16xf32, #tpu.memory_space<vmem>>
        %dma_wait3A_133 = tpu.memref_squeeze %dma_wait3A_132 : memref<1x128x16xf32, #tpu.memory_space<vmem>> -> memref<128x16xf32, #tpu.memory_space<vmem>>
        %dma_wait3A_134 = arith.constant 0 : i32
        %dma_wait3A_135 = tpu.memref_slice %arg11[%while3A_75, %dma_wait3A_134] : memref<81x128xi32, #tpu.memory_space<vmem>> -> memref<1x128xi32, #tpu.memory_space<vmem>>
        %dma_wait3A_136 = tpu.memref_squeeze %dma_wait3A_135 : memref<1x128xi32, #tpu.memory_space<vmem>> -> memref<128xi32, #tpu.memory_space<vmem>>
        %dma_wait3A_137 = arith.constant 0 : i32
        %dma_wait3A_138 = arith.constant 0 : i32
        %dma_wait3A_139 = tpu.memref_slice %arg14[%dma_wait3A_137, %dma_wait3A_138] : memref<10112x16xf32, #tpu.memory_space<vmem_shared>> -> memref<10112x16xf32, #tpu.memory_space<vmem_shared>>
        tpu.wait_indirect_dma semaphore(%run_scoped3A : memref<!tpu.dma_semaphore, #tpu.memory_space<semaphore_mem>>) src(%dma_wait3A_133 : memref<128x16xf32, #tpu.memory_space<vmem>>) dst(%dma_wait3A_139 : memref<10112x16xf32, #tpu.memory_space<vmem_shared>>)
        tpu.yield
      }) : () -> ()
      "tpu.region"() ({
        %run_scoped3A = tpu.sem_alloc : memref<!tpu.dma_semaphore, #tpu.memory_space<semaphore_mem>>
        %dma_start3A_120 = arith.constant 0 : i32
        %dma_start3A_121 = tpu.memref_slice %arg11[%while3A_75, %dma_start3A_120] : memref<81x128xi32, #tpu.memory_space<vmem>> -> memref<1x128xi32, #tpu.memory_space<vmem>>
        %dma_start3A_122 = tpu.memref_squeeze %dma_start3A_121 : memref<1x128xi32, #tpu.memory_space<vmem>> -> memref<128xi32, #tpu.memory_space<vmem>>
        %dma_start3A_123 = arith.constant 0 : i32
        %dma_start3A_124 = arith.constant 0 : i32
        %dma_start3A_125 = tpu.memref_slice %arg15[%dma_start3A_123, %dma_start3A_124] : memref<10112x16xf32, #tpu.memory_space<vmem_shared>> -> memref<10112x16xf32, #tpu.memory_space<vmem_shared>>
        tpu.enqueue_indirect_dma source(%arg13 : memref<128x16xf32, #tpu.memory_space<vmem>>) target(%dma_start3A_125 : memref<10112x16xf32, #tpu.memory_space<vmem_shared>>) offsets(%dma_start3A_122 : memref<128xi32, #tpu.memory_space<vmem>>) semaphore(%run_scoped3A : memref<!tpu.dma_semaphore, #tpu.memory_space<semaphore_mem>>) {add = true}
        %dma_wait3A_126 = arith.constant 0 : i32
        %dma_wait3A_127 = tpu.memref_slice %arg11[%while3A_75, %dma_wait3A_126] : memref<81x128xi32, #tpu.memory_space<vmem>> -> memref<1x128xi32, #tpu.memory_space<vmem>>
        %dma_wait3A_128 = tpu.memref_squeeze %dma_wait3A_127 : memref<1x128xi32, #tpu.memory_space<vmem>> -> memref<128xi32, #tpu.memory_space<vmem>>
        %dma_wait3A_129 = arith.constant 0 : i32
        %dma_wait3A_130 = arith.constant 0 : i32
        %dma_wait3A_131 = tpu.memref_slice %arg15[%dma_wait3A_129, %dma_wait3A_130] : memref<10112x16xf32, #tpu.memory_space<vmem_shared>> -> memref<10112x16xf32, #tpu.memory_space<vmem_shared>>
        tpu.wait_indirect_dma semaphore(%run_scoped3A : memref<!tpu.dma_semaphore, #tpu.memory_space<semaphore_mem>>) src(%arg13 : memref<128x16xf32, #tpu.memory_space<vmem>>) dst(%dma_wait3A_131 : memref<10112x16xf32, #tpu.memory_space<vmem_shared>>)
        tpu.yield
      }) : () -> ()
    }
    %barrier3A_74 = arith.constant 0 : index
    tpu.barrier barrier_id(%barrier3A_74)
    "tpu.region"() ({
      %run_scoped3A = tpu.sem_alloc : memref<!tpu.dma_semaphore, #tpu.memory_space<semaphore_mem>>
      %dma_start3A_75 = arith.constant 0 : i32
      %dma_start3A_76 = tpu.memref_slice %arg8[%arg0, %mul3A_0, %dma_start3A_75] : memref<2x10112x16xf32, #tpu.memory_space<hbm>> -> memref<1x632x16xf32, #tpu.memory_space<hbm>>
      %dma_start3A_77 = tpu.memref_squeeze %dma_start3A_76 : memref<1x632x16xf32, #tpu.memory_space<hbm>> -> memref<632x16xf32, #tpu.memory_space<hbm>>
      %dma_start3A_78 = arith.constant 0 : i32
      %dma_start3A_79 = tpu.memref_slice %arg14[%mul3A_0, %dma_start3A_78] : memref<10112x16xf32, #tpu.memory_space<vmem_shared>> -> memref<632x16xf32, #tpu.memory_space<vmem_shared>>
      tpu.enqueue_dma source(%dma_start3A_79 : memref<632x16xf32, #tpu.memory_space<vmem_shared>>) target(%dma_start3A_77 : memref<632x16xf32, #tpu.memory_space<hbm>>) target_semaphore(%run_scoped3A : memref<!tpu.dma_semaphore, #tpu.memory_space<semaphore_mem>>)
      %dma_wait3A = arith.constant 0 : i32
      %dma_wait3A_80 = tpu.memref_slice %arg8[%arg0, %mul3A_0, %dma_wait3A] : memref<2x10112x16xf32, #tpu.memory_space<hbm>> -> memref<1x632x16xf32, #tpu.memory_space<hbm>>
      %dma_wait3A_81 = tpu.memref_squeeze %dma_wait3A_80 : memref<1x632x16xf32, #tpu.memory_space<hbm>> -> memref<632x16xf32, #tpu.memory_space<hbm>>
      %dma_wait3A_82 = arith.constant 0 : i32
      %dma_wait3A_83 = tpu.memref_slice %arg14[%mul3A_0, %dma_wait3A_82] : memref<10112x16xf32, #tpu.memory_space<vmem_shared>> -> memref<632x16xf32, #tpu.memory_space<vmem_shared>>
      tpu.wait_dma2 semaphore(%run_scoped3A : memref<!tpu.dma_semaphore, #tpu.memory_space<semaphore_mem>>) src(%dma_wait3A_83 : memref<632x16xf32, #tpu.memory_space<vmem_shared>>) dst(%dma_wait3A_81 : memref<632x16xf32, #tpu.memory_space<hbm>>)
      tpu.yield
    }) : () -> ()
    "tpu.region"() ({
      %run_scoped3A = tpu.sem_alloc : memref<!tpu.dma_semaphore, #tpu.memory_space<semaphore_mem>>
      %dma_start3A_75 = arith.constant 0 : i32
      %dma_start3A_76 = tpu.memref_slice %arg9[%arg0, %mul3A_0, %dma_start3A_75] : memref<2x10112x16xf32, #tpu.memory_space<hbm>> -> memref<1x632x16xf32, #tpu.memory_space<hbm>>
      %dma_start3A_77 = tpu.memref_squeeze %dma_start3A_76 : memref<1x632x16xf32, #tpu.memory_space<hbm>> -> memref<632x16xf32, #tpu.memory_space<hbm>>
      %dma_start3A_78 = arith.constant 0 : i32
      %dma_start3A_79 = tpu.memref_slice %arg15[%mul3A_0, %dma_start3A_78] : memref<10112x16xf32, #tpu.memory_space<vmem_shared>> -> memref<632x16xf32, #tpu.memory_space<vmem_shared>>
      tpu.enqueue_dma source(%dma_start3A_79 : memref<632x16xf32, #tpu.memory_space<vmem_shared>>) target(%dma_start3A_77 : memref<632x16xf32, #tpu.memory_space<hbm>>) target_semaphore(%run_scoped3A : memref<!tpu.dma_semaphore, #tpu.memory_space<semaphore_mem>>)
      %dma_wait3A = arith.constant 0 : i32
      %dma_wait3A_80 = tpu.memref_slice %arg9[%arg0, %mul3A_0, %dma_wait3A] : memref<2x10112x16xf32, #tpu.memory_space<hbm>> -> memref<1x632x16xf32, #tpu.memory_space<hbm>>
      %dma_wait3A_81 = tpu.memref_squeeze %dma_wait3A_80 : memref<1x632x16xf32, #tpu.memory_space<hbm>> -> memref<632x16xf32, #tpu.memory_space<hbm>>
      %dma_wait3A_82 = arith.constant 0 : i32
      %dma_wait3A_83 = tpu.memref_slice %arg15[%mul3A_0, %dma_wait3A_82] : memref<10112x16xf32, #tpu.memory_space<vmem_shared>> -> memref<632x16xf32, #tpu.memory_space<vmem_shared>>
      tpu.wait_dma2 semaphore(%run_scoped3A : memref<!tpu.dma_semaphore, #tpu.memory_space<semaphore_mem>>) src(%dma_wait3A_83 : memref<632x16xf32, #tpu.memory_space<vmem_shared>>) dst(%dma_wait3A_81 : memref<632x16xf32, #tpu.memory_space<hbm>>)
      tpu.yield
    }) : () -> ()
    return
  }
}

module attributes {stable_mosaic.version = 14 : i64} {
  func.func @_mm_kernel(%arg0: memref<1250x1024xf32, #tpu.memory_space<vmem>>, %arg1: memref<1024x128xf32, #tpu.memory_space<vmem>>, %arg2: memref<1024x128xf32, #tpu.memory_space<vmem>>, %arg3: memref<1250x128xf32, #tpu.memory_space<vmem>>, %arg4: memref<1250x128xf32, #tpu.memory_space<vmem>>) attributes {dimension_semantics = [], scalar_prefetch = 0 : i64, scratch_operands = 0 : i64, tpu.core_type = #tpu.core_type<tc>} {
    %get3A = arith.constant 0 : index
    %get3A_0 = arith.constant 0 : index
    %get3A_1 = vector.load %arg0[%get3A, %get3A_0] : memref<1250x1024xf32, #tpu.memory_space<vmem>>, vector<1250x1024xf32>
    %get3A_2 = arith.constant 0 : index
    %get3A_3 = arith.constant 0 : index
    %get3A_4 = vector.load %arg1[%get3A_2, %get3A_3] : memref<1024x128xf32, #tpu.memory_space<vmem>>, vector<1024x128xf32>
    %dot_general3A = arith.constant dense<0.000000e+00> : vector<1250x128xf32>
    %dot_general3A_5 = tpu.matmul %get3A_1, %get3A_4, %dot_general3A {dimension_numbers = #tpu.dot_dimension_numbers<[1], [0], [0], [1], [0, 0, 1, 1], [], []>, transpose_lhs_hint = false} : vector<1250x1024xf32>, vector<1024x128xf32>, vector<1250x128xf32> -> vector<1250x128xf32>
    %swap3A = arith.constant 0 : index
    %swap3A_6 = arith.constant 0 : index
    %swap3A_7 = vector.load %arg3[%swap3A, %swap3A_6] : memref<1250x128xf32, #tpu.memory_space<vmem>>, vector<1250x128xf32>
    tpu.vector_store %arg3[%swap3A, %swap3A_6], %dot_general3A_5 {strides = array<i32>} : memref<1250x128xf32, #tpu.memory_space<vmem>>, vector<1250x128xf32>,
    %get3A_8 = arith.constant 0 : index
    %get3A_9 = arith.constant 0 : index
    %get3A_10 = vector.load %arg2[%get3A_8, %get3A_9] : memref<1024x128xf32, #tpu.memory_space<vmem>>, vector<1024x128xf32>
    %dot_general3A_11 = arith.constant dense<0.000000e+00> : vector<1250x128xf32>
    %dot_general3A_12 = tpu.matmul %get3A_1, %get3A_10, %dot_general3A_11 {dimension_numbers = #tpu.dot_dimension_numbers<[1], [0], [0], [1], [0, 0, 1, 1], [], []>, transpose_lhs_hint = false} : vector<1250x1024xf32>, vector<1024x128xf32>, vector<1250x128xf32> -> vector<1250x128xf32>
    %swap3A_13 = arith.constant 0 : index
    %swap3A_14 = arith.constant 0 : index
    %swap3A_15 = vector.load %arg4[%swap3A_13, %swap3A_14] : memref<1250x128xf32, #tpu.memory_space<vmem>>, vector<1250x128xf32>
    tpu.vector_store %arg4[%swap3A_13, %swap3A_14], %dot_general3A_12 {strides = array<i32>} : memref<1250x128xf32, #tpu.memory_space<vmem>>, vector<1250x128xf32>,
    return
  }
}

module attributes {stable_mosaic.version = 14 : i64} {
  func.func @_h_kernel(%arg0: memref<2x1264x128xf32, #tpu.memory_space<vmem>>, %arg1: memref<2x1264x128xf32, #tpu.memory_space<vmem>>, %arg2: memref<1250x128xf32, #tpu.memory_space<vmem>>, %arg3: memref<1x128xf32, #tpu.memory_space<vmem>>, %arg4: memref<1x128xf32, #tpu.memory_space<vmem>>, %arg5: memref<1x128xf32, #tpu.memory_space<vmem>>, %arg6: memref<128x128xf32, #tpu.memory_space<vmem>>, %arg7: memref<1250x128xf32, #tpu.memory_space<vmem>>) attributes {dimension_semantics = [], scalar_prefetch = 0 : i64, scratch_operands = 0 : i64, tpu.core_type = #tpu.core_type<tc>} {
    %get3A = arith.constant 0 : index
    %get3A_0 = arith.constant 0 : index
    %get3A_1 = arith.constant 0 : index
    %get3A_2 = vector.load %arg0[%get3A, %get3A_0, %get3A_1] : memref<2x1264x128xf32, #tpu.memory_space<vmem>>, vector<1x1250x128xf32>
    %get3A_3 = vector.shape_cast %get3A_2 : vector<1x1250x128xf32> to vector<1250x128xf32>
    %get3A_4 = arith.constant 1 : index
    %get3A_5 = arith.constant 0 : index
    %get3A_6 = arith.constant 0 : index
    %get3A_7 = vector.load %arg0[%get3A_4, %get3A_5, %get3A_6] : memref<2x1264x128xf32, #tpu.memory_space<vmem>>, vector<1x1250x128xf32>
    %get3A_8 = vector.shape_cast %get3A_7 : vector<1x1250x128xf32> to vector<1250x128xf32>
    %add3A = arith.addf %get3A_3, %get3A_8 : vector<1250x128xf32>
    %get3A_9 = arith.constant 0 : index
    %get3A_10 = arith.constant 0 : index
    %get3A_11 = arith.constant 0 : index
    %get3A_12 = vector.load %arg1[%get3A_9, %get3A_10, %get3A_11] : memref<2x1264x128xf32, #tpu.memory_space<vmem>>, vector<1x1250x128xf32>
    %get3A_13 = vector.shape_cast %get3A_12 : vector<1x1250x128xf32> to vector<1250x128xf32>
    %get3A_14 = arith.constant 1 : index
    %get3A_15 = arith.constant 0 : index
    %get3A_16 = arith.constant 0 : index
    %get3A_17 = vector.load %arg1[%get3A_14, %get3A_15, %get3A_16] : memref<2x1264x128xf32, #tpu.memory_space<vmem>>, vector<1x1250x128xf32>
    %get3A_18 = vector.shape_cast %get3A_17 : vector<1x1250x128xf32> to vector<1250x128xf32>
    %add3A_19 = arith.addf %get3A_13, %get3A_18 : vector<1250x128xf32>
    %max3A = arith.constant 1.000000e+00 : f32
    %max3A_20 = vector.broadcast %max3A : f32 to vector<1250x128xf32>
    %max3A_21 = arith.maximumf %add3A_19, %max3A_20 : vector<1250x128xf32>
    %div3A = arith.divf %add3A, %max3A_21 : vector<1250x128xf32>
    %get3A_22 = arith.constant 0 : index
    %get3A_23 = arith.constant 0 : index
    %get3A_24 = vector.load %arg2[%get3A_22, %get3A_23] : memref<1250x128xf32, #tpu.memory_space<vmem>>, vector<1250x128xf32>
    %add3A_25 = arith.addf %div3A, %get3A_24 : vector<1250x128xf32>
    %get3A_26 = arith.constant 0 : index
    %get3A_27 = arith.constant 0 : index
    %get3A_28 = vector.load %arg3[%get3A_26, %get3A_27] : memref<1x128xf32, #tpu.memory_space<vmem>>, vector<1x128xf32>
    %add3A_29 = vector.broadcast %get3A_28 : vector<1x128xf32> to vector<1250x128xf32>
    %add3A_30 = arith.addf %add3A_25, %add3A_29 : vector<1250x128xf32>
    %max3A_31 = arith.constant 0.000000e+00 : f32
    %max3A_32 = vector.broadcast %max3A_31 : f32 to vector<1250x128xf32>
    %max3A_33 = arith.maximumf %add3A_30, %max3A_32 : vector<1250x128xf32>
    %get3A_34 = arith.constant 0 : index
    %get3A_35 = arith.constant 0 : index
    %get3A_36 = vector.load %arg6[%get3A_34, %get3A_35] : memref<128x128xf32, #tpu.memory_space<vmem>>, vector<128x128xf32>
    %dot_general3A = arith.constant dense<0.000000e+00> : vector<1250x128xf32>
    %dot_general3A_37 = tpu.matmul %max3A_33, %get3A_36, %dot_general3A {dimension_numbers = #tpu.dot_dimension_numbers<[1], [0], [0], [1], [0, 0, 1, 1], [], []>, transpose_lhs_hint = false} : vector<1250x128xf32>, vector<128x128xf32>, vector<1250x128xf32> -> vector<1250x128xf32>
    %sub3A = arith.subf %max3A_33, %dot_general3A_37 : vector<1250x128xf32>
    %mul3A = arith.mulf %sub3A, %sub3A : vector<1250x128xf32>
    %dot_general3A_38 = arith.constant dense<0.000000e+00> : vector<1250x128xf32>
    %dot_general3A_39 = tpu.matmul %mul3A, %get3A_36, %dot_general3A_38 {dimension_numbers = #tpu.dot_dimension_numbers<[1], [0], [0], [1], [0, 0, 1, 1], [], []>, transpose_lhs_hint = false} : vector<1250x128xf32>, vector<128x128xf32>, vector<1250x128xf32> -> vector<1250x128xf32>
    %add3A_40 = arith.constant 9.99999974E-6 : f32
    %add3A_41 = vector.broadcast %add3A_40 : f32 to vector<1250x128xf32>
    %add3A_42 = arith.addf %dot_general3A_39, %add3A_41 : vector<1250x128xf32>
    %sqrt3A = math.sqrt %add3A_42 : vector<1250x128xf32>
    %div3A_43 = arith.divf %sub3A, %sqrt3A : vector<1250x128xf32>
    %get3A_44 = arith.constant 0 : index
    %get3A_45 = arith.constant 0 : index
    %get3A_46 = vector.load %arg4[%get3A_44, %get3A_45] : memref<1x128xf32, #tpu.memory_space<vmem>>, vector<1x128xf32>
    %mul3A_47 = vector.broadcast %get3A_46 : vector<1x128xf32> to vector<1250x128xf32>
    %mul3A_48 = arith.mulf %div3A_43, %mul3A_47 : vector<1250x128xf32>
    %get3A_49 = arith.constant 0 : index
    %get3A_50 = arith.constant 0 : index
    %get3A_51 = vector.load %arg5[%get3A_49, %get3A_50] : memref<1x128xf32, #tpu.memory_space<vmem>>, vector<1x128xf32>
    %add3A_52 = vector.broadcast %get3A_51 : vector<1x128xf32> to vector<1250x128xf32>
    %add3A_53 = arith.addf %mul3A_48, %add3A_52 : vector<1250x128xf32>
    %swap3A = arith.constant 0 : index
    %swap3A_54 = arith.constant 0 : index
    %swap3A_55 = vector.load %arg7[%swap3A, %swap3A_54] : memref<1250x128xf32, #tpu.memory_space<vmem>>, vector<1250x128xf32>
    tpu.vector_store %arg7[%swap3A, %swap3A_54], %add3A_53 {strides = array<i32>} : memref<1250x128xf32, #tpu.memory_space<vmem>>, vector<1250x128xf32>,
    return
  }
}

module attributes {stable_mosaic.version = 14 : i64} {
  func.func @_out_kernel(%arg0: memref<2x1264x128xf32, #tpu.memory_space<vmem>>, %arg1: memref<2x1264x128xf32, #tpu.memory_space<vmem>>, %arg2: memref<1250x128xf32, #tpu.memory_space<vmem>>, %arg3: memref<128x1024xf32, #tpu.memory_space<vmem>>, %arg4: memref<128x1024xf32, #tpu.memory_space<vmem>>, %arg5: memref<1x1024xf32, #tpu.memory_space<vmem>>, %arg6: memref<10000x128xf32, #tpu.memory_space<vmem>>) attributes {dimension_semantics = [], scalar_prefetch = 0 : i64, scratch_operands = 0 : i64, tpu.core_type = #tpu.core_type<tc>} {
    %get3A = arith.constant 0 : index
    %get3A_0 = arith.constant 0 : index
    %get3A_1 = arith.constant 0 : index
    %get3A_2 = vector.load %arg0[%get3A, %get3A_0, %get3A_1] : memref<2x1264x128xf32, #tpu.memory_space<vmem>>, vector<1x1250x128xf32>
    %get3A_3 = vector.shape_cast %get3A_2 : vector<1x1250x128xf32> to vector<1250x128xf32>
    %get3A_4 = arith.constant 1 : index
    %get3A_5 = arith.constant 0 : index
    %get3A_6 = arith.constant 0 : index
    %get3A_7 = vector.load %arg0[%get3A_4, %get3A_5, %get3A_6] : memref<2x1264x128xf32, #tpu.memory_space<vmem>>, vector<1x1250x128xf32>
    %get3A_8 = vector.shape_cast %get3A_7 : vector<1x1250x128xf32> to vector<1250x128xf32>
    %add3A = arith.addf %get3A_3, %get3A_8 : vector<1250x128xf32>
    %get3A_9 = arith.constant 0 : index
    %get3A_10 = arith.constant 0 : index
    %get3A_11 = arith.constant 0 : index
    %get3A_12 = vector.load %arg1[%get3A_9, %get3A_10, %get3A_11] : memref<2x1264x128xf32, #tpu.memory_space<vmem>>, vector<1x1250x128xf32>
    %get3A_13 = vector.shape_cast %get3A_12 : vector<1x1250x128xf32> to vector<1250x128xf32>
    %get3A_14 = arith.constant 1 : index
    %get3A_15 = arith.constant 0 : index
    %get3A_16 = arith.constant 0 : index
    %get3A_17 = vector.load %arg1[%get3A_14, %get3A_15, %get3A_16] : memref<2x1264x128xf32, #tpu.memory_space<vmem>>, vector<1x1250x128xf32>
    %get3A_18 = vector.shape_cast %get3A_17 : vector<1x1250x128xf32> to vector<1250x128xf32>
    %add3A_19 = arith.addf %get3A_13, %get3A_18 : vector<1250x128xf32>
    %max3A = arith.constant 1.000000e+00 : f32
    %max3A_20 = vector.broadcast %max3A : f32 to vector<1250x128xf32>
    %max3A_21 = arith.maximumf %add3A_19, %max3A_20 : vector<1250x128xf32>
    %div3A = arith.divf %add3A, %max3A_21 : vector<1250x128xf32>
    %get3A_22 = arith.constant 0 : index
    %get3A_23 = arith.constant 0 : index
    %get3A_24 = vector.load %arg3[%get3A_22, %get3A_23] : memref<128x1024xf32, #tpu.memory_space<vmem>>, vector<128x1024xf32>
    %dot_general3A = arith.constant dense<0.000000e+00> : vector<1250x1024xf32>
    %dot_general3A_25 = tpu.matmul %div3A, %get3A_24, %dot_general3A {dimension_numbers = #tpu.dot_dimension_numbers<[1], [0], [0], [1], [0, 0, 1, 1], [], []>, transpose_lhs_hint = false} : vector<1250x128xf32>, vector<128x1024xf32>, vector<1250x1024xf32> -> vector<1250x1024xf32>
    %get3A_26 = arith.constant 0 : index
    %get3A_27 = arith.constant 0 : index
    %get3A_28 = vector.load %arg2[%get3A_26, %get3A_27] : memref<1250x128xf32, #tpu.memory_space<vmem>>, vector<1250x128xf32>
    %get3A_29 = arith.constant 0 : index
    %get3A_30 = arith.constant 0 : index
    %get3A_31 = vector.load %arg4[%get3A_29, %get3A_30] : memref<128x1024xf32, #tpu.memory_space<vmem>>, vector<128x1024xf32>
    %dot_general3A_32 = arith.constant dense<0.000000e+00> : vector<1250x1024xf32>
    %dot_general3A_33 = tpu.matmul %get3A_28, %get3A_31, %dot_general3A_32 {dimension_numbers = #tpu.dot_dimension_numbers<[1], [0], [0], [1], [0, 0, 1, 1], [], []>, transpose_lhs_hint = false} : vector<1250x128xf32>, vector<128x1024xf32>, vector<1250x1024xf32> -> vector<1250x1024xf32>
    %add3A_34 = arith.addf %dot_general3A_25, %dot_general3A_33 : vector<1250x1024xf32>
    %get3A_35 = arith.constant 0 : index
    %get3A_36 = arith.constant 0 : index
    %get3A_37 = vector.load %arg5[%get3A_35, %get3A_36] : memref<1x1024xf32, #tpu.memory_space<vmem>>, vector<1x1024xf32>
    %add3A_38 = vector.broadcast %get3A_37 : vector<1x1024xf32> to vector<1250x1024xf32>
    %add3A_39 = arith.addf %add3A_34, %add3A_38 : vector<1250x1024xf32>
    %reshape3A = vector.shape_cast %add3A_39 : vector<1250x1024xf32> to vector<10000x128xf32>
    %swap3A = arith.constant 0 : index
    %swap3A_40 = arith.constant 0 : index
    %swap3A_41 = vector.load %arg6[%swap3A, %swap3A_40] : memref<10000x128xf32, #tpu.memory_space<vmem>>, vector<10000x128xf32>
    tpu.vector_store %arg6[%swap3A, %swap3A_40], %reshape3A {strides = array<i32>} : memref<10000x128xf32, #tpu.memory_space<vmem>>, vector<10000x128xf32>,
    return
  }
}

</mosaic_0001>

<sc_bundles>
// kernel: kernel.10.cloned.1.call-start
scs
__scs_entry_jumppad:
0x0: {  	(pc) =	sbr.rel $0x88, $3  }
0x1: {  	(tag) =	ssettag $0x0;
	lr =	simm.s32 $0x1  }
0x2: {  	[smem:$0x3F97] =	sst lr;
	_ =	strace $0xD0000000  }
0x3: {  	_ = 	snop  }
0x4: {  	_ = 	snop  }
0x5: {  	_ = 	snop  }
0x6: {  	_ = 	snop  }
0x7: {  	_ = 	snop  }
__scs_overlays_trampoline_lowered:
0x8: {  	[smem:$0x3FA6] =	sst s0  }
0x9: {  	[smem:$0x3FA7] =	sst s1  }
0xa: {  	[smem:$0x3FA8] =	sst s2  }
0xb: {  	[smem:$0x3FA9] =	sst s3  }
0xc: {  	[smem:$0x3FAA] =	sst s4  }
0xd: {  	[smem:$0x3FAB] =	sst s5  }
0xe: {  	[smem:$0x3FAC] =	sst s6  }
0xf: {  	[smem:$0x3FAD] =	sst s7  }
0x10: {  	[smem:$0x3FAE] =	sst s8  }
0x11: {  	[smem:$0x3FAF] =	sst s9;
	s0 =	simm.s32 @!p0 $0x0  }
0x12: {  	s1 =	sld [smem:$0x3F95];
	s0 =	simm.s32 @p0 $0x1  }
0x13: {  	[smem:$0x3FB0] =	sst s0;
	s0 =	simm.s32 @!p1 $0x0  }
0x14: {  	s2 =	sld [smem:$0x3F94];
	s0 =	simm.s32 @p1 $0x1  }
0x15: {  	[smem:$0x3FB1] =	sst s0;
	s0 =	simm.s32 @!p2 $0x0  }
0x16: {  	s3 =	sld [smem:$0x3FDB];
	s0 =	simm.s32 @p2 $0x1  }
0x17: {  	s4 =	simm.s32 $0x1BF5;
	[smem:$0x3FB3] =	sst s0  }
0x18: {  	s0 =	sld [smem:$0x3F96];
	_ =	swait.ge [sflag:s4], $0x0  }
0x19: {  	s7 =	sld [smem:$0x3F97]  }
0x1a: {  	s8 =	sadd.s32 $0xFFFFE003, lr  }
0x1b: {  	s9 =	sadd.s32 $0xFFFFFEF7, lr;
	s5 =	simm.s32 $0xFFFFFFFF;
	p2 =	slt.u32 s8, $0xFFFFF086  }
0x1c: {  	p1 =	slt.u32 s9, $0xF7A;
	s5 =	simm.s32 @!p2 $0x0  }
0x1d: {  	s5 =	simm.s32 @p1 $0x1;
	p0 =	seq.s32 s7, s2  }
0x1e: {  	s7 =	smul.u32 @!p0 $0xF7A, s2;
	p2 =	seq.s32 @!p0 s5, $0x0  }
0x1f: {  	s9 =	smul.u32 $0xF7A, s1;
	s8 =	simm.s32 @!p0 $0x1BF5;
	p2 =	por !p2, p0  }
0x20: {  	[sflag:s8] =	ssyncset.s32 @!p0 $0xFFFFF086;
	s6 =	sadd.s32 @!p0 s3, s7;
	s7 =	simm.s32 @!p0 $0x108  }
0x21: {  	s3 =	sadd.s32 s3, s9;
	s6 =	sadd.s32 @!p0 $0x88, s6;
	s7 =	simm.s32 @p2 $0x1082  }
0x22: {  	[simem:s7], [sflag:s8] =	dma.local @!p0 [hbm:s6], $0xF7A  }
0x23: {  	s9 =	sor.u32 $0xD0000000, s2;
	s6 =	simm.s32 $0x108;
	_ =	swait.ge @!p0 [sflag:s8], $0x0  }
0x24: {  	s3 =	sadd.s32 $0x88, s3;
	s6 =	simm.s32 @!p1 $0x1082;
	[sflag:s4] =	ssyncset.s32 $0xFFFFF086  }
0x25: {  	[simem:s6], [sflag:s4] =	dma.local [hbm:s3], $0xF7A  }
0x26: {  	[smem:$0x3F97] =	sst s1;
	(tag) =	ssettag s2;
	_ =	strace s9  }
0x27: {  	s1 =	sld [smem:$0x3FA7]  }
0x28: {  	s2 =	sld [smem:$0x3FA8]  }
0x29: {  	s4 =	sld [smem:$0x3FAA]  }
0x2a: {  	p0 =	seq.s32 s5, $0x0;
	s5 =	sld [smem:$0x3FAB]  }
0x2b: {  	s6 =	sld [smem:$0x3FAC]  }
0x2c: {  	s7 =	sld [smem:$0x3FAD]  }
0x2d: {  	s3 =	simm.s32 $0x108;
	s8 =	sld [smem:$0x3FAE]  }
0x2e: {  	s3 =	simm.s32 @!p0 $0x1082;
	s9 =	sld [smem:$0x3FAF]  }
0x2f: {  	lr =	sadd.s32 s0, s3;
	s0 =	sld [smem:$0x3FA6]  }
0x30: {  	s3 =	sld [smem:$0x3FA9]  }
0x31: {  	[smem:$0x3FB2] =	sst s10  }
0x32: {  	s10 =	sld [smem:$0x3FB0];
	_ =	sdelay $0x3  }
0x33: {  	p0 =	seq.s32 s10, $0x1;
	s10 =	sld [smem:$0x3FB2];
	_ =	sdelay $0x3  }
0x34: {  	[smem:$0x3FB2] =	sst s10  }
0x35: {  	s10 =	sld [smem:$0x3FB1];
	_ =	sdelay $0x3  }
0x36: {  	p1 =	seq.s32 s10, $0x1;
	s10 =	sld [smem:$0x3FB2];
	_ =	sdelay $0x3  }
0x37: {  	[smem:$0x3FB2] =	sst s10  }
0x38: {  	s10 =	sld [smem:$0x3FB3]  }
0x39: {  	_ = 	snop;
	(pc) =	sbr.ind lr, $3  }
0x3a: {  	_ = 	snop  }
0x3b: {  	_ = 	snop  }
0x3c: {  	p2 =	seq.s32 s10, $0x1;
	s10 =	sld [smem:$0x3FB2]  }
0x3d: {  	_ =	shalt  }
0x3e: {  	_ =	shalt  }
0x3f: {  	_ =	shalt  }
0x40: {  	_ =	shalt  }
0x41: {  	_ =	shalt  }
0x42: {  	_ =	shalt  }
0x43: {  	_ =	shalt  }
0x44: {  	_ =	shalt  }
0x45: {  	_ =	shalt  }
0x46: {  	_ =	shalt  }
0x47: {  	_ =	shalt  }
0x48: {  	_ =	shalt  }
0x49: {  	_ =	shalt  }
0x4a: {  	_ =	shalt  }
0x4b: {  	_ =	shalt  }
0x4c: {  	_ =	shalt  }
0x4d: {  	_ =	shalt  }
0x4e: {  	_ =	shalt  }
0x4f: {  	_ =	shalt  }
0x50: {  	_ =	shalt  }
0x51: {  	_ =	shalt  }
0x52: {  	_ =	shalt  }
0x53: {  	_ =	shalt  }
0x54: {  	_ =	shalt  }
0x55: {  	_ =	shalt  }
0x56: {  	_ =	shalt  }
0x57: {  	_ =	shalt  }
0x58: {  	_ =	shalt  }
0x59: {  	_ =	shalt  }
0x5a: {  	_ =	shalt  }
0x5b: {  	_ =	shalt  }
0x5c: {  	_ =	shalt  }
0x5d: {  	_ =	shalt  }
0x5e: {  	_ =	shalt  }
0x5f: {  	_ =	shalt  }
0x60: {  	_ =	shalt  }
0x61: {  	_ =	shalt  }
0x62: {  	_ =	shalt  }
0x63: {  	_ =	shalt  }
0x64: {  	_ =	shalt  }
0x65: {  	_ =	shalt  }
0x66: {  	_ =	shalt  }
0x67: {  	_ =	shalt  }
0x68: {  	_ =	shalt  }
0x69: {  	_ =	shalt  }
0x6a: {  	_ =	shalt  }
0x6b: {  	_ =	shalt  }
0x6c: {  	_ =	shalt  }
0x6d: {  	_ =	shalt  }
0x6e: {  	_ =	shalt  }
0x6f: {  	_ =	shalt  }
0x70: {  	_ =	shalt  }
0x71: {  	_ =	shalt  }
0x72: {  	_ =	shalt  }
0x73: {  	_ =	shalt  }
0x74: {  	_ =	shalt  }
0x75: {  	_ =	shalt  }
0x76: {  	_ =	shalt  }
0x77: {  	_ =	shalt  }
0x78: {  	_ =	shalt  }
0x79: {  	_ =	shalt  }
0x7a: {  	_ =	shalt  }
0x7b: {  	_ =	shalt  }
0x7c: {  	_ =	shalt  }
0x7d: {  	_ =	shalt  }
0x7e: {  	_ =	shalt  }
0x7f: {  	_ =	shalt  }
0x80: {  	_ =	shalt  }
0x81: {  	_ =	shalt  }
0x82: {  	_ =	shalt  }
0x83: {  	_ =	shalt  }
0x84: {  	_ =	shalt  }
0x85: {  	_ =	shalt  }
0x86: {  	_ =	shalt  }
0x87: {  	_ =	shalt  }
.Lfunc_end0:
.L_simem_size_0:
called_computation.1_lowered:
.L_overlay_start_0:
0x88: {  	s2 =	sld [smem:$0x3FD9]  }
0x89: {  	s3 =	sld [smem:$0x3FFE];
	_ =	sdelay $0x1  }
0x8a: {  	s1 =	srdreg.scid  }
0x8b: {  	s0 =	sand.u32 $0x1, s1  }
0x8c: {  	s17 =	sshll.u32 s0, $0xA;
	s2 =	sadd.s32 s3, s2  }
0x8d: {  	s2 =	sadd.s32 s2, s17  }
0x8e: {  	[smem:$0x3FBE] =	sst s2  }
0x8f: {  	_ = 	snop  }
0x90: {  	s2 =	sld [smem:$0x3FD0];
	(tm) =	ssettm $0x1  }
0x91: {  	s18 =	sld [smem:$0x3FFB];
	_ =	sdelay $0x3  }
0x92: {  	_ =	strace s18  }
0x93: {  	s3 =	sld [smem:$0x3FFC];
	_ =	sdelay $0x3  }
0x94: {  	_ =	strace s3  }
0x95: {  	s3 =	sld [smem:$0x3FFD];
	_ =	sdelay $0x3  }
0x96: {  	_ =	strace s3  }
0x97: {  	_ =	strace $0x8FFFFFFF  }
0x98: {  	s19 =	sld [smem:$0x3FDB];
	_ =	sdelay $0x1  }
0x99: {  	s4 =	simm.s32 $_scs_section_size  }
0x9a: {  	s5 =	simm.s32 $_size__tile_overlayer_lowered;
	s6 =	simm.s32 $_tile_overlayer_lowered  }
0x9b: {  	s22 =	simm.s32 $0x1BFF;
	s21 =	sshll.u32 s6, $0x1;
	s3 =	sadd.s32 s4, s19  }
0x9c: {  	s7 =	simm.s32 $0x0;
	s20 =	sshll.u32 s5, $0x1;
	s5 =	sadd.s32 s21, s3  }
0x9d: {  	[timem:s7], [sflag:s22] =	dma.local [hbm:s5], s20  }
0x9e: {  	_ =	swait.ge [sflag:s22], s20  }
0x9f: {  	s4 =	ssub.s32 $0x0, s20;
	[sflag:s22] =	ssyncset.done $0x0  }
0xa0: {  	[sflag:s22] =	ssyncadd.s32 s4;
	_ =	sdelay $0x1  }
0xa1: {  	s23 =	simm.s32 $0x1B8B  }
0xa2: {  	_ =	swait.ge [sflag:s23], $0x1  }
0xa3: {  	[sflag:s23] =	ssyncset.done $0x0  }
0xa4: {  	s25 =	simm.s32 $0x1B8E;
	s24 =	sld [smem:$0x3FFE];
	[sflag:s23] =	ssyncadd.s32 $0xFFFFFFFF  }
0xa5: {  	s26 =	simm.s32 $execute0_lowered;
	[smem:$0x3FD2] =	sst s25  }
0xa6: {  	s5 =	sshll.u32 s26, $0x1;
	_ =	strace $0x80000049;
	[dreg:$0x1] =	wrdreg $0xFFFFFFFF  }
0xa7: {  	s28 =	simm.s32 $_size_execute0_lowered;
	s3 =	sadd.s32 s3, s5;
	[dreg:$0x0] =	wrdreg $0x0  }
0xa8: {  	s5 =	sshll.u32 s28, $0x1;
	[dreg:$0x2] =	wrdreg s3  }
0xa9: {  	[dreg:$0x3] =	wrdreg s5  }
0xaa: {  	[dreg:$0x4] =	wrdreg $0xC0  }
0xab: {  	_ =	task [dreg:s7], $0x5FFFF  }
0xac: {  	[dreg:$0x1] =	wrdreg $0xFFFFFFFF  }
0xad: {  	[dreg:$0x0] =	wrdreg $0x60  }
0xae: {  	[dreg:$0x2] =	wrdreg s2  }
0xaf: {  	[dreg:$0x3] =	wrdreg s24  }
0xb0: {  	[dreg:$0x4] =	wrdreg $0x61000  }
0xb1: {  	[dreg:$0x5] =	wrdreg $0x88800  }
0xb2: {  	[dreg:$0x6] =	wrdreg $0x9  }
0xb3: {  	_ =	task.clear_ibuf [dreg:s7], $0x7FFFF;
	_ =	strace $0x90000049  }
0xb4: {  	s29 =	simm.s32 $0x9;
	_ =	strace $0x8000004B  }
0xb5: {  	_ =	swait.ge [sflag:s29], $0x1  }
0xb6: {  	[sflag:s29] =	ssyncadd.s32 $0xFFFFFFFF  }
0xb7: {  	_ =	strace $0x9000004B  }
0xb8: {  	_ =	sfence  }
0xb9: {  	s30 =	sld [smem:$0x0];
	_ =	sdelay $0x2  }
0xba: {  	s31 =	sshll.u32 s1, $0xD;
	s1 =	sshrl.u32 s1, $0x2  }
0xbb: {  	s3 =	sand.u32 $0x4000, s31;
	s1 =	sadd.s32 s1, s30  }
0xbc: {  	s0 =	sor.u32 s3, s0;
	s1 =	sshll.u32 s1, $0x11  }
0xbd: {  	s0 =	sor.u32 s1, s0  }
0xbe: {  	s0 =	sadd.s32 $0x8F2B, s0  }
0xbf: {  	[sflag:s0] =	ssyncadd.remote.s32 $0x1  }
0xc0: {  	_ =	sfence.sel $0xFFFF  }
0xc1: {  	[dreg:$0x0] =	wrdreg $0xFFFFFFFF;
	(pc) =	sbr.abs _section_cstart, $3  }
0xc2: {  	[dreg:$0x1] =	wrdreg $0xFFFFFFFF  }
0xc3: {  	_ =	task.clear_ibuf [dreg:s7], $0x2FFFF;
	_ =	strace $0x9FFFFFFF  }
0xc4: {  	(tm) =	ssettm $0x7FFFFFFF  }
0xc5: {  	_ =	shalt  }
tec
execute0_lowered:
.L_overlay_start_1:
0x0: {  	(tag) =	ssettag $0x1  }
0x1: {  	s0 =	rddreg [dreg:$0x0]  }
0x2: {  	s1 =	rddreg [dreg:$0x1]  }
0x3: {  	s2 =	rddreg [dreg:$0x2]  }
0x4: {  	s3 =	rddreg [dreg:$0x3]  }
0x5: {  	s24 =	stileid.u32;
	s4 =	simm.s32 $0x0;
	s5 =	srdreg.scid  }
0x6: {  	s28 =	simm.s32 $0x0;
	s13 =	smul.u32 $0x2780, s24;
	[smem:$0x7FF] =	sst s4  }
0x7: {  	s19 =	sand.u32 $0x1, s5;
	s29 =	sadd.s32 $0x8200, s1;
	s6 =	sadd.s32 $0x8C00, s1  }
0x8: {  	s7 =	sadd.s32 $0x8A00, s1;
	s11 =	smul.u32 $0x25A0, s24;
	s30 =	sshll.u32 s24, $0x6  }
0x9: {  	s22 =	sadd.s32 $0x25080, s3;
	p2 =	seq.s32 s24, $0xF;
	_ =	strace $0x8000004A  }
0xa: {  	s8 =	smul.u32 $0x27800, s19;
	[dreg:$0x5] =	wrdreg s29;
	s9 =	ssub.s32 $0x2, s19  }
0xb: {  	p0 =	seq.s32 s19, $0x0;
	p1 =	sne.s32 s19, $0x0;
	s22 =	sshrl.u32 @p2 s22, $0x3  }
0xc: {  	s26 =	sshrl.u32 s13, $0x3;
	s10 =	sshrl.u32 s9, $0x1;
	s17 =	sadd.s32 $0x28800, s11  }
0xd: {  	s20 =	sadd.s32 s13, s2;
	s11 =	sshrl.u32 s11, $0x3;
	s23 =	sadd.s32 s13, s3  }
0xe: {  	s14 =	sadd.s32 s26, s1;
	s8 =	sadd.s32 s13, s8;
	s16 =	ssub.s32 s9, s10  }
0xf: {  	s10 =	smul.u32 $0x2880, s24;
	s9 =	sor.u32 $0x1C03, s30;
	s12 =	sshrl.u32 s17, $0x3  }
0x10: {  	s21 =	sadd.s32 s0, s11;
	s19 =	sshrl.u32 s20, $0x3;
	s20 =	simm.s32 $0x3  }
0x11: {  	s23 =	sshrl.u32 @!p2 s23, $0x3;
	s24 =	simm.s32 $0x80;
	s26 =	simm.s32 $0x1  }
0x12: {  	s8 =	sshrl.u32 s8, $0x3;
	s13 =	sadd.s32 $0x3200, s14;
	s14 =	sadd.s32 $0x7C10, s1  }
0x13: {  	s16 =	smax.u32 s16, $0x1;
	s15 =	sadd.s32 s8, s1;
	s8 =	simm.s32 $0x51  }
0x14: {  	s17 =	smov.u32 @p0 s10;
	s18 =	sshrl.u32 s10, $0x3;
	s10 =	sadd.s32 s0, s12  }
0x15: {  	s12 =	sadd.s32 $0xF1F0, s21;
	s21 =	simm.s32 $0x2;
	s31 =	sshrl.u32 s17, $0x3  }
0x16: {  	s8 =	simm.s32 @!p0 $0x4C;
	s11 =	sadd.s32 s0, s18;
	s0 =	sadd.s32 s0, s31  }
0x17: {  	s15 =	sadd.s32 $0x8E00, s15;
	s17 =	sadd.s32 $0xFFFFFFFE, s8;
	s18 =	sadd.s32 $0x9C40, s0  }
.LBB2_1:
0x18: {  	s0 =	rddreg [dreg:$0x5]  }
0x19: {  	[spmem:s19], [sflag:s9] =	dma.local [hbm:s0], $0x4F0  }
0x1a: {  	_ =	swait.ge [sflag:s20], $0x4F0  }
0x1b: {  	[sflag:s20] =	ssyncset.done $0x0  }
0x1c: {  	s1 =	simm.s32 @p1 $0x3;
	s0 =	simm.s32 @p1 $0x0;
	[sflag:s20] =	ssyncadd.s32 $0xFFFFFB10  }
0x1d: {  	[tilespmem:s0], [sflag:$0x3] =	stream.linear.gather @p1 [hbm4b:s10+s0], $0x25A0, $0x38;
	[tilespmem:$0xB000] =	vst v63  }
0x1e: {  	_ =	swait.ge @p1 [sflag:s1], $0x25A0  }
0x1f: {  	[sflag:s1] =	ssyncset.done @p1 $0x0  }
0x20: {  	s25 =	simm.s32 @p1 $0x25A0;
	[sflag:s1] =	ssyncadd.s32 @p1 $0xFFFFDA60  }
0x21: {  	[tilespmem:s25], [sflag:$0x3] =	stream.linear.gather @p1 [hbm4b:s6+s0], $0x60, $0x38;
	[tilespmem:$0xB000] =	vst v63  }
0x22: {  	_ =	swait.ge @p1 [sflag:s1], $0x60  }
0x23: {  	[sflag:s1] =	ssyncset.done @p1 $0x0  }
0x24: {  	s0 =	simm.s32 @!p1 $0x0;
	[sflag:s1] =	ssyncadd.s32 @p1 $0xFFFFFFA0  }
0x25: {  	[tilespmem:s0], [sflag:$0x3] =	stream.linear.gather @!p1 [hbm4b:s11+s0], $0x2880, $0x38;
	[tilespmem:$0xB000] =	vst v63  }
0x26: {  	s0 =	simm.s32 @!p1 $0x51  }
0x27: {  	s0 =	simm.s32 @p1 $0x4B  }
0x28: {  	p3 =	sne.s32 s0, $0x1  }
.Ltmp0:
0x29: {  	s1 =	simm.s32 @!p1 $0x3;
	(pc) =	sbr.rel @!p3 .LBB2_3-.Ltmp0, $4  }
0x2a: {  	_ =	swait.ge @!p1 [sflag:s1], $0x2880  }
0x2b: {  	s29 =	simm.s32 $0x2880;
	[sflag:s1] =	ssyncset.done @!p1 $0x0  }
0x2c: {  	s30 =	sadd.s32 $0xFFFFFFFF, s0;
	[sflag:s1] =	ssyncadd.s32 @!p1 $0xFFFFD780;
	s1 =	smov.u32 s18  }
0x2d: {  	[tilespmem:s29], [sflag:$0x2] =	stream.linear.gather [hbm4b:s18+s4], $0x80, $0x38;
	[tilespmem:$0xB000] =	vst v63  }
.LBB2_2:
0x2e: {  	p4 =	sne.s32 s30, $0x1  }
.Ltmp1:
0x2f: {  	_ = 	snop;
	(pc) =	sbr.rel @p4 .LBB2_2-.Ltmp1, $4  }
0x30: {  	_ = 	snop  }
0x31: {  	s1 =	sadd.s32 $0x10, s1;
	s29 =	sadd.s32 $0x80, s29  }
0x32: {  	s30 =	sadd.s32 $0xFFFFFFFF, s30  }
0x33: {  	[tilespmem:s29], [sflag:$0x2] =	stream.linear.gather [hbm4b:s1+s4], $0x80, $0x38;
	[tilespmem:$0xB000] =	vst v63  }
.LBB2_3:
0x34: {  	s1 =	simm.s32 @!p0 $0x0;
	s25 =	simm.s32 @!p0 $0x4E00;
	s29 =	simm.s32 @!p0 $0x3  }
0x35: {  	[tilespmem:s25], [sflag:$0x3] =	stream.linear.gather @!p0 [hbm4b:s7+s1], $0x80, $0x38;
	[tilespmem:$0xB000] =	vst v63  }
0x36: {  	_ =	swait.ge @!p0 [sflag:s29], $0x80  }
.Ltmp2:
0x37: {  	[sflag:s29] =	ssyncset.done @!p0 $0x0;
	(pc) =	sbr.rel @!p3 .LBB2_5-.Ltmp2, $4  }
0x38: {  	[sflag:s29] =	ssyncadd.s32 @!p0 $0xFFFFFF80  }
0x39: {  	[tilespmem:s25], [sflag:$0x2] =	stream.linear.gather @!p0 [hbm4b:s12+s1], $0x20, $0x38;
	[tilespmem:$0xB000] =	vst v63  }
0x3a: {  	_ =	swait.ge [sflag:s21], $0x80  }
0x3b: {  	s0 =	sadd.s32 $0xFFFFFFFF, s0;
	[sflag:s21] =	ssyncset.done $0x0  }
.LBB2_4:
0x3c: {  	p3 =	sne.s32 s0, $0x1;
	s0 =	sadd.s32 $0xFFFFFFFF, s0;
	[sflag:s21] =	ssyncadd.s32 $0xFFFFFF80  }
.Ltmp3:
0x3d: {  	(pc) =	sbr.rel @p3 .LBB2_4-.Ltmp3, $3  }
0x3e: {  	_ =	sdelay $0x1  }
0x3f: {  	_ =	swait.ge [sflag:s21], $0x80  }
0x40: {  	[sflag:s21] =	ssyncset.done $0x0  }
.LBB2_5:
0x41: {  	[sflag:s21] =	ssyncadd.s32 $0xFFFFFF80;
	s0 =	simm.s32 @!p0 $0x2  }
0x42: {  	_ =	swait.ge @!p0 [sflag:s0], $0x20  }
0x43: {  	[sflag:s0] =	ssyncset.done @!p0 $0x0  }
0x44: {  	[sflag:s0] =	ssyncadd.s32 @!p0 $0xFFFFFFE0;
	s0 =	simm.s32 @p2 $0x3  }
0x45: {  	[spmem:s22], [sflag:s9] =	dma.local @p2 [hbm:s14], $0x410  }
0x46: {  	_ =	swait.ge @p2 [sflag:s0], $0x410  }
0x47: {  	[sflag:s0] =	ssyncset.done @p2 $0x0  }
0x48: {  	[sflag:s0] =	ssyncadd.s32 @p2 $0xFFFFFBF0;
	s0 =	simm.s32 @!p2 $0x3  }
0x49: {  	[spmem:s23], [sflag:s9] =	dma.local @!p2 [hbm:s13], $0x4F0  }
0x4a: {  	_ =	swait.ge @!p2 [sflag:s0], $0x4F0  }
0x4b: {  	[sflag:s0] =	ssyncset.done @!p2 $0x0  }
0x4c: {  	s1 =	simm.s32 $0x5100;
	[sflag:s0] =	ssyncadd.s32 @!p2 $0xFFFFFB10  }
0x4d: {  	s5 =	simm.s32 $0x800;
	s0 =	simm.s32 $0x0;
	[bflag:$0x0] =	sbarrier.arrive $0xFFFF  }
0x4e: {  	[tilespmem:s1], [sflag:$0x1] =	stream.indirect.gather [spmem:s3], $0x10, s0, s24, $0xb8;
	[tilespmem:$0xB000] =	vst v63  }
0x4f: {  	p3 =	sne.s32 s17, $0x0;
	s1 =	sand.u32 $0x800, s5  }
.Ltmp4:
0x50: {  	s31 =	simm.s32 $0x80;
	s30 =	sor.u32 $0x5100, s1;
	(pc) =	sbr.rel @!p3 .LBB2_7-.Ltmp4, $4  }
0x51: {  	[tilespmem:s30], [sflag:$0x1] =	stream.indirect.gather [spmem:s3], $0x10, s31, s24, $0xb8;
	[tilespmem:$0xB000] =	vst v63  }
0x52: {  	s25 =	simm.s32 $0x0;
	_ =	swait.ge [sflag:s26], $0x800  }
0x53: {  	s29 =	simm.s32 $0x1;
	s1 =	sand.u32 $0x800, s25;
	[sflag:s26] =	ssyncset.done $0x0  }
0x54: {  	s25 =	simm.s32 $0x2880;
	s1 =	sor.u32 $0x5100, s1;
	[sflag:s26] =	ssyncadd.s32 $0xFFFFF800  }
.LBB2_6:
0x55: {  	s0 =	smov.u32 s29  }
0x56: {  	[spmem:s2] =	stream.indirect.scatter.add.f32 [tilespmem:s1], [sflag:$0x3], $0x10, s25, s24, $0xb8;
	[tilespmem:$0xB000] =	vst v63  }
0x57: {  	s1 =	smov.u32 s29  }
0x58: {  	p3 =	sne.s32 s29, s17;
	s29 =	sadd.s32 $0x1, s29;
	_ =	swait.ge [sflag:s20], $0x800  }
0x59: {  	s25 =	sshll.u32 s29, $0xB;
	[sflag:s20] =	ssyncset.done $0x0  }
0x5a: {  	s31 =	sshll.u32 s29, $0x9;
	s25 =	sand.u32 $0x800, s25;
	[sflag:s20] =	ssyncadd.s32 $0xFFFFF800  }
.Ltmp5:
0x5b: {  	s31 =	sshra.s32 s31, $0x2;
	s30 =	sor.u32 $0x5100, s25;
	(pc) =	sbr.rel @p3 .LBB2_6-.Ltmp5, $4  }
0x5c: {  	[tilespmem:s30], [sflag:$0x1] =	stream.indirect.gather [spmem:s3], $0x10, s31, s24, $0xb8;
	[tilespmem:$0xB000] =	vst v63  }
0x5d: {  	s25 =	sshll.u32 s1, $0xB;
	s1 =	sshll.u32 s1, $0x9;
	_ =	swait.ge [sflag:s26], $0x800  }
0x5e: {  	s25 =	sand.u32 $0x800, s25;
	s5 =	sshra.s32 s1, $0x2;
	[sflag:s26] =	ssyncset.done $0x0  }
0x5f: {  	s1 =	sor.u32 $0x5100, s25;
	s25 =	sadd.s32 $0x2880, s5;
	[sflag:s26] =	ssyncadd.s32 $0xFFFFF800  }
.LBB2_7:
0x60: {  	[spmem:s2] =	stream.indirect.scatter.add.f32 [tilespmem:s1], [sflag:$0x3], $0x10, s25, s24, $0xb8;
	[tilespmem:$0xB000] =	vst v63  }
0x61: {  	s0 =	sadd.s32 $0x2, s0  }
0x62: {  	_ =	swait.ge [sflag:s20], $0x800;
	p3 =	sge.u32 s0, s8  }
0x63: {  	[sflag:s20] =	ssyncset.done $0x0;
	s1 =	sshll.u32 @!p3 s0, $0xB  }
0x64: {  	s0 =	sshll.u32 @!p3 s0, $0x7;
	s5 =	simm.s32 @!p3 $0x80;
	s1 =	sand.u32 @!p3 $0x800, s1  }
0x65: {  	[sflag:s20] =	ssyncadd.s32 $0xFFFFF800;
	s0 =	sand.u32 @!p3 $0x3FFFFF80, s0;
	s1 =	sor.u32 @!p3 $0x5100, s1  }
0x66: {  	[tilespmem:s1], [sflag:$0x1] =	stream.indirect.gather @!p3 [spmem:s3], $0x10, s0, s5, $0xb8;
	[tilespmem:$0xB000] =	vst v63  }
0x67: {  	_ =	swait.ge [sflag:s26], $0x800  }
0x68: {  	[sflag:s26] =	ssyncset.done $0x0  }
0x69: {  	s31 =	sadd.s32 $0x2880, s31;
	[sflag:s26] =	ssyncadd.s32 $0xFFFFF800  }
0x6a: {  	[spmem:s2] =	stream.indirect.scatter.add.f32 [tilespmem:s30], [sflag:$0x3], $0x10, s31, s24, $0xb8;
	[tilespmem:$0xB000] =	vst v63  }
0x6b: {  	_ =	swait.ge [sflag:s20], $0x800  }
0x6c: {  	s28 =	sadd.s32 $0x1, s28;
	[sflag:s20] =	ssyncset.done $0x0  }
0x6d: {  	p3 =	sne.s32 s28, s16;
	[sflag:s20] =	ssyncadd.s32 $0xFFFFF800  }
.Ltmp6:
0x6e: {  	[bflag:$0x0] =	sbarrier.arrive $0xFFFF;
	(pc) =	sbr.rel @p3 .LBB2_1-.Ltmp6, $4  }
0x6f: {  	[hbm:s15], [sflag:s9] =	dma.local [spmem:s19], $0x4F0  }
0x70: {  	_ =	swait.ge [sflag:s20], $0x4F0  }
0x71: {  	[sflag:s20] =	ssyncset.done $0x0  }
0x72: {  	[sflag:s20] =	ssyncadd.s32 $0xFFFFFB10  }
0x73: {  	_ =	sfence.sel $0x180000  }
0x74: {  	[bflag:$0x0] =	sbarrier.arrive $0xFFFF  }
0x75: {  	_ =	strace $0x9000004A  }
0x76: {  	s0 =	stileid.u32;
	[bflag:$0x2] =	sbarrier.arrive $0xFFFF  }
0x77: {  	p0 =	sne.s32 s0, $0x0;
	s0 =	rddreg [dreg:$0x4]  }
0x78: {  	s0 =	sadd.s32 @!p0 $0x100000, s0  }
0x79: {  	[sflag:s0] =	ssyncadd.tile.s32 @!p0 $0x1;
	_ =	shalt  }
.Lfunc_end2:
_tile_overlayer_lowered:
.L_overlay_start_2:
0x7a: {  	(tag) =	ssettag $0x2  }
0x7b: {  	s0 =	rddreg [dreg:$0x0];
	s2 =	stileid.u32  }
0x7c: {  	s1 =	rddreg [dreg:$0x1];
	p0 =	sne.s32 s2, $0x0  }
0x7d: {  	s3 =	rddreg [dreg:$0x2];
	[bflag:$0x3] =	sbarrier.arrive $0xFFFF;
	s2 =	simm.s32 @!p0 $0x1C03  }
0x7e: {  	[timem:s3], [sflag:s2] =	dma.local @!p0 [hbm:s0], s1  }
0x7f: {  	s0 =	simm.s32 @!p0 $0x3  }
0x80: {  	_ =	swait.ge @!p0 [sflag:s0], s1  }
0x81: {  	s1 =	ssub.s32 @!p0 $0x0, s1;
	[sflag:s0] =	ssyncset.done @!p0 $0x0  }
0x82: {  	[sflag:s0] =	ssyncadd.s32 @!p0 s1  }
0x83: {  	[bflag:$0x3] =	sbarrier.arrive $0xFFFF  }
0x84: {  	_ =	shalt  }

// kernel: kernel.7.cloned.1.call-start
scs
__scs_entry_jumppad:
0x0: {  	(pc) =	sbr.rel $0x88, $3  }
0x1: {  	(tag) =	ssettag $0x0;
	lr =	simm.s32 $0x1  }
0x2: {  	[smem:$0x3F97] =	sst lr;
	_ =	strace $0xD0000000  }
0x3: {  	_ = 	snop  }
0x4: {  	_ = 	snop  }
0x5: {  	_ = 	snop  }
0x6: {  	_ = 	snop  }
0x7: {  	_ = 	snop  }
__scs_overlays_trampoline_lowered:
0x8: {  	[smem:$0x3FA6] =	sst s0  }
0x9: {  	[smem:$0x3FA7] =	sst s1  }
0xa: {  	[smem:$0x3FA8] =	sst s2  }
0xb: {  	[smem:$0x3FA9] =	sst s3  }
0xc: {  	[smem:$0x3FAA] =	sst s4  }
0xd: {  	[smem:$0x3FAB] =	sst s5  }
0xe: {  	[smem:$0x3FAC] =	sst s6  }
0xf: {  	[smem:$0x3FAD] =	sst s7  }
0x10: {  	[smem:$0x3FAE] =	sst s8  }
0x11: {  	[smem:$0x3FAF] =	sst s9;
	s0 =	simm.s32 @!p0 $0x0  }
0x12: {  	s1 =	sld [smem:$0x3F95];
	s0 =	simm.s32 @p0 $0x1  }
0x13: {  	[smem:$0x3FB0] =	sst s0;
	s0 =	simm.s32 @!p1 $0x0  }
0x14: {  	s2 =	sld [smem:$0x3F94];
	s0 =	simm.s32 @p1 $0x1  }
0x15: {  	[smem:$0x3FB1] =	sst s0;
	s0 =	simm.s32 @!p2 $0x0  }
0x16: {  	s3 =	sld [smem:$0x3FDB];
	s0 =	simm.s32 @p2 $0x1  }
0x17: {  	s4 =	simm.s32 $0x1BF5;
	[smem:$0x3FB3] =	sst s0  }
0x18: {  	s0 =	sld [smem:$0x3F96];
	_ =	swait.ge [sflag:s4], $0x0  }
0x19: {  	s7 =	sld [smem:$0x3F97]  }
0x1a: {  	s8 =	sadd.s32 $0xFFFFE003, lr  }
0x1b: {  	s9 =	sadd.s32 $0xFFFFFEF7, lr;
	s5 =	simm.s32 $0xFFFFFFFF;
	p2 =	slt.u32 s8, $0xFFFFF086  }
0x1c: {  	p1 =	slt.u32 s9, $0xF7A;
	s5 =	simm.s32 @!p2 $0x0  }
0x1d: {  	s5 =	simm.s32 @p1 $0x1;
	p0 =	seq.s32 s7, s2  }
0x1e: {  	s7 =	smul.u32 @!p0 $0xF7A, s2;
	p2 =	seq.s32 @!p0 s5, $0x0  }
0x1f: {  	s9 =	smul.u32 $0xF7A, s1;
	s8 =	simm.s32 @!p0 $0x1BF5;
	p2 =	por !p2, p0  }
0x20: {  	[sflag:s8] =	ssyncset.s32 @!p0 $0xFFFFF086;
	s6 =	sadd.s32 @!p0 s3, s7;
	s7 =	simm.s32 @!p0 $0x108  }
0x21: {  	s3 =	sadd.s32 s3, s9;
	s6 =	sadd.s32 @!p0 $0x88, s6;
	s7 =	simm.s32 @p2 $0x1082  }
0x22: {  	[simem:s7], [sflag:s8] =	dma.local @!p0 [hbm:s6], $0xF7A  }
0x23: {  	s9 =	sor.u32 $0xD0000000, s2;
	s6 =	simm.s32 $0x108;
	_ =	swait.ge @!p0 [sflag:s8], $0x0  }
0x24: {  	s3 =	sadd.s32 $0x88, s3;
	s6 =	simm.s32 @!p1 $0x1082;
	[sflag:s4] =	ssyncset.s32 $0xFFFFF086  }
0x25: {  	[simem:s6], [sflag:s4] =	dma.local [hbm:s3], $0xF7A  }
0x26: {  	[smem:$0x3F97] =	sst s1;
	(tag) =	ssettag s2;
	_ =	strace s9  }
0x27: {  	s1 =	sld [smem:$0x3FA7]  }
0x28: {  	s2 =	sld [smem:$0x3FA8]  }
0x29: {  	s4 =	sld [smem:$0x3FAA]  }
0x2a: {  	p0 =	seq.s32 s5, $0x0;
	s5 =	sld [smem:$0x3FAB]  }
0x2b: {  	s6 =	sld [smem:$0x3FAC]  }
0x2c: {  	s7 =	sld [smem:$0x3FAD]  }
0x2d: {  	s3 =	simm.s32 $0x108;
	s8 =	sld [smem:$0x3FAE]  }
0x2e: {  	s3 =	simm.s32 @!p0 $0x1082;
	s9 =	sld [smem:$0x3FAF]  }
0x2f: {  	lr =	sadd.s32 s0, s3;
	s0 =	sld [smem:$0x3FA6]  }
0x30: {  	s3 =	sld [smem:$0x3FA9]  }
0x31: {  	[smem:$0x3FB2] =	sst s10  }
0x32: {  	s10 =	sld [smem:$0x3FB0];
	_ =	sdelay $0x3  }
0x33: {  	p0 =	seq.s32 s10, $0x1;
	s10 =	sld [smem:$0x3FB2];
	_ =	sdelay $0x3  }
0x34: {  	[smem:$0x3FB2] =	sst s10  }
0x35: {  	s10 =	sld [smem:$0x3FB1];
	_ =	sdelay $0x3  }
0x36: {  	p1 =	seq.s32 s10, $0x1;
	s10 =	sld [smem:$0x3FB2];
	_ =	sdelay $0x3  }
0x37: {  	[smem:$0x3FB2] =	sst s10  }
0x38: {  	s10 =	sld [smem:$0x3FB3]  }
0x39: {  	_ = 	snop;
	(pc) =	sbr.ind lr, $3  }
0x3a: {  	_ = 	snop  }
0x3b: {  	_ = 	snop  }
0x3c: {  	p2 =	seq.s32 s10, $0x1;
	s10 =	sld [smem:$0x3FB2]  }
0x3d: {  	_ =	shalt  }
0x3e: {  	_ =	shalt  }
0x3f: {  	_ =	shalt  }
0x40: {  	_ =	shalt  }
0x41: {  	_ =	shalt  }
0x42: {  	_ =	shalt  }
0x43: {  	_ =	shalt  }
0x44: {  	_ =	shalt  }
0x45: {  	_ =	shalt  }
0x46: {  	_ =	shalt  }
0x47: {  	_ =	shalt  }
0x48: {  	_ =	shalt  }
0x49: {  	_ =	shalt  }
0x4a: {  	_ =	shalt  }
0x4b: {  	_ =	shalt  }
0x4c: {  	_ =	shalt  }
0x4d: {  	_ =	shalt  }
0x4e: {  	_ =	shalt  }
0x4f: {  	_ =	shalt  }
0x50: {  	_ =	shalt  }
0x51: {  	_ =	shalt  }
0x52: {  	_ =	shalt  }
0x53: {  	_ =	shalt  }
0x54: {  	_ =	shalt  }
0x55: {  	_ =	shalt  }
0x56: {  	_ =	shalt  }
0x57: {  	_ =	shalt  }
0x58: {  	_ =	shalt  }
0x59: {  	_ =	shalt  }
0x5a: {  	_ =	shalt  }
0x5b: {  	_ =	shalt  }
0x5c: {  	_ =	shalt  }
0x5d: {  	_ =	shalt  }
0x5e: {  	_ =	shalt  }
0x5f: {  	_ =	shalt  }
0x60: {  	_ =	shalt  }
0x61: {  	_ =	shalt  }
0x62: {  	_ =	shalt  }
0x63: {  	_ =	shalt  }
0x64: {  	_ =	shalt  }
0x65: {  	_ =	shalt  }
0x66: {  	_ =	shalt  }
0x67: {  	_ =	shalt  }
0x68: {  	_ =	shalt  }
0x69: {  	_ =	shalt  }
0x6a: {  	_ =	shalt  }
0x6b: {  	_ =	shalt  }
0x6c: {  	_ =	shalt  }
0x6d: {  	_ =	shalt  }
0x6e: {  	_ =	shalt  }
0x6f: {  	_ =	shalt  }
0x70: {  	_ =	shalt  }
0x71: {  	_ =	shalt  }
0x72: {  	_ =	shalt  }
0x73: {  	_ =	shalt  }
0x74: {  	_ =	shalt  }
0x75: {  	_ =	shalt  }
0x76: {  	_ =	shalt  }
0x77: {  	_ =	shalt  }
0x78: {  	_ =	shalt  }
0x79: {  	_ =	shalt  }
0x7a: {  	_ =	shalt  }
0x7b: {  	_ =	shalt  }
0x7c: {  	_ =	shalt  }
0x7d: {  	_ =	shalt  }
0x7e: {  	_ =	shalt  }
0x7f: {  	_ =	shalt  }
0x80: {  	_ =	shalt  }
0x81: {  	_ =	shalt  }
0x82: {  	_ =	shalt  }
0x83: {  	_ =	shalt  }
0x84: {  	_ =	shalt  }
0x85: {  	_ =	shalt  }
0x86: {  	_ =	shalt  }
0x87: {  	_ =	shalt  }
.Lfunc_end0:
.L_simem_size_0:
called_computation_lowered:
.L_overlay_start_0:
0x88: {  	s2 =	sld [smem:$0x3FD9]  }
0x89: {  	s3 =	sld [smem:$0x3FFE];
	_ =	sdelay $0x1  }
0x8a: {  	s1 =	srdreg.scid  }
0x8b: {  	s0 =	sand.u32 $0x1, s1  }
0x8c: {  	s17 =	sshll.u32 s0, $0xA;
	s2 =	sadd.s32 s3, s2  }
0x8d: {  	s2 =	sadd.s32 s2, s17  }
0x8e: {  	[smem:$0x3FBE] =	sst s2  }
0x8f: {  	_ = 	snop  }
0x90: {  	s2 =	sld [smem:$0x3FD0];
	(tm) =	ssettm $0x1  }
0x91: {  	s18 =	sld [smem:$0x3FFB];
	_ =	sdelay $0x3  }
0x92: {  	_ =	strace s18  }
0x93: {  	s3 =	sld [smem:$0x3FFC];
	_ =	sdelay $0x3  }
0x94: {  	_ =	strace s3  }
0x95: {  	s3 =	sld [smem:$0x3FFD];
	_ =	sdelay $0x3  }
0x96: {  	_ =	strace s3  }
0x97: {  	_ =	strace $0x8FFFFFFF  }
0x98: {  	s19 =	sld [smem:$0x3FDB];
	_ =	sdelay $0x1  }
0x99: {  	s4 =	simm.s32 $_scs_section_size  }
0x9a: {  	s5 =	simm.s32 $_size__tile_overlayer_lowered;
	s6 =	simm.s32 $_tile_overlayer_lowered  }
0x9b: {  	s22 =	simm.s32 $0x1BFF;
	s21 =	sshll.u32 s6, $0x1;
	s3 =	sadd.s32 s4, s19  }
0x9c: {  	s7 =	simm.s32 $0x0;
	s20 =	sshll.u32 s5, $0x1;
	s5 =	sadd.s32 s21, s3  }
0x9d: {  	[timem:s7], [sflag:s22] =	dma.local [hbm:s5], s20  }
0x9e: {  	_ =	swait.ge [sflag:s22], s20  }
0x9f: {  	s4 =	ssub.s32 $0x0, s20;
	[sflag:s22] =	ssyncset.done $0x0  }
0xa0: {  	[sflag:s22] =	ssyncadd.s32 s4;
	_ =	sdelay $0x1  }
0xa1: {  	s23 =	simm.s32 $0x1B8B  }
0xa2: {  	_ =	swait.ge [sflag:s23], $0x1  }
0xa3: {  	[sflag:s23] =	ssyncset.done $0x0  }
0xa4: {  	s25 =	simm.s32 $0x1B8E;
	s24 =	sld [smem:$0x3FFE];
	[sflag:s23] =	ssyncadd.s32 $0xFFFFFFFF  }
0xa5: {  	s26 =	simm.s32 $execute0_lowered;
	[smem:$0x3FD2] =	sst s25  }
0xa6: {  	s5 =	sshll.u32 s26, $0x1;
	_ =	strace $0x80000046;
	[dreg:$0x1] =	wrdreg $0xFFFFFFFF  }
0xa7: {  	s28 =	simm.s32 $_size_execute0_lowered;
	s3 =	sadd.s32 s3, s5;
	[dreg:$0x0] =	wrdreg $0x0  }
0xa8: {  	s5 =	sshll.u32 s28, $0x1;
	[dreg:$0x2] =	wrdreg s3  }
0xa9: {  	[dreg:$0x3] =	wrdreg s5  }
0xaa: {  	[dreg:$0x4] =	wrdreg $0xC0  }
0xab: {  	_ =	task [dreg:s7], $0x5FFFF  }
0xac: {  	[dreg:$0x1] =	wrdreg $0xFFFFFFFF  }
0xad: {  	[dreg:$0x0] =	wrdreg $0x60  }
0xae: {  	[dreg:$0x2] =	wrdreg s2  }
0xaf: {  	[dreg:$0x3] =	wrdreg s24  }
0xb0: {  	[dreg:$0x4] =	wrdreg $0x69000  }
0xb1: {  	[dreg:$0x5] =	wrdreg $0x90800  }
0xb2: {  	[dreg:$0x6] =	wrdreg $0xB8000  }
0xb3: {  	[dreg:$0x7] =	wrdreg $0x9  }
0xb4: {  	_ =	task.clear_ibuf [dreg:s7], $0x8FFFF;
	_ =	strace $0x90000046  }
0xb5: {  	s29 =	simm.s32 $0x9;
	_ =	strace $0x80000048  }
0xb6: {  	_ =	swait.ge [sflag:s29], $0x1  }
0xb7: {  	[sflag:s29] =	ssyncadd.s32 $0xFFFFFFFF  }
0xb8: {  	_ =	strace $0x90000048  }
0xb9: {  	_ =	sfence  }
0xba: {  	s30 =	sld [smem:$0x0];
	_ =	sdelay $0x2  }
0xbb: {  	s31 =	sshll.u32 s1, $0xD;
	s1 =	sshrl.u32 s1, $0x2  }
0xbc: {  	s3 =	sand.u32 $0x4000, s31;
	s1 =	sadd.s32 s1, s30  }
0xbd: {  	s0 =	sor.u32 s3, s0;
	s1 =	sshll.u32 s1, $0x11  }
0xbe: {  	s0 =	sor.u32 s1, s0  }
0xbf: {  	s0 =	sadd.s32 $0x8F2B, s0  }
0xc0: {  	[sflag:s0] =	ssyncadd.remote.s32 $0x1  }
0xc1: {  	_ =	sfence.sel $0xFFFF  }
0xc2: {  	[dreg:$0x0] =	wrdreg $0xFFFFFFFF;
	(pc) =	sbr.abs _section_cstart, $3  }
0xc3: {  	[dreg:$0x1] =	wrdreg $0xFFFFFFFF  }
0xc4: {  	_ =	task.clear_ibuf [dreg:s7], $0x2FFFF;
	_ =	strace $0x9FFFFFFF  }
0xc5: {  	(tm) =	ssettm $0x7FFFFFFF  }
tec
execute0_lowered:
.L_overlay_start_1:
0x0: {  	(tag) =	ssettag $0x1  }
0x1: {  	s0 =	rddreg [dreg:$0x0]  }
0x2: {  	s1 =	rddreg [dreg:$0x1]  }
0x3: {  	s2 =	rddreg [dreg:$0x2]  }
0x4: {  	s3 =	rddreg [dreg:$0x3]  }
0x5: {  	s4 =	rddreg [dreg:$0x4]  }
0x6: {  	s24 =	stileid.u32;
	s5 =	simm.s32 $0x0;
	s6 =	srdreg.scid  }
0x7: {  	s28 =	simm.s32 $0x6100;
	s29 =	simm.s32 $0x2;
	s30 =	simm.s32 $0x80  }
0x8: {  	s7 =	smul.u32 $0x2780, s24;
	[smem:$0x7FF] =	sst s5;
	s8 =	sand.u32 $0x1, s6  }
0x9: {  	s6 =	sadd.s32 $0x8200, s1;
	s10 =	sadd.s32 $0x8800, s1;
	s14 =	smul.u32 $0x25A0, s24  }
0xa: {  	s18 =	sadd.s32 $0x8C00, s1;
	s12 =	sadd.s32 $0x8A00, s1;
	s15 =	smul.u32 $0x2880, s24  }
0xb: {  	s21 =	sshll.u32 s24, $0x6;
	_ =	strace $0x80000047;
	[dreg:$0x6] =	wrdreg s10  }
0xc: {  	p2 =	seq.s32 s24, $0xF;
	s9 =	smul.u32 $0x27800, s8;
	[dreg:$0x7] =	wrdreg s18  }
0xd: {  	s19 =	ssub.s32 $0x2, s8;
	[dreg:$0x8] =	wrdreg s12;
	p0 =	seq.s32 s8, $0x0  }
0xe: {  	s10 =	simm.s32 $0x51;
	s12 =	sor.u32 $0x1C03, s21;
	p1 =	sne.s32 s8, $0x0  }
0xf: {  	s17 =	sshrl.u32 s7, $0x3;
	s20 =	sshrl.u32 s19, $0x1;
	s18 =	sadd.s32 $0x28800, s14  }
0x10: {  	s10 =	simm.s32 @!p0 $0x4C;
	s16 =	sadd.s32 s7, s2;
	s23 =	sshrl.u32 s14, $0x3  }
0x11: {  	s11 =	sadd.s32 s17, s1;
	s9 =	sadd.s32 s7, s9;
	s13 =	ssub.s32 s19, s20  }
0x12: {  	[dreg:$0x9] =	wrdreg s16;
	s22 =	sshrl.u32 s18, $0x3;
	s17 =	sadd.s32 s7, s3  }
0x13: {  	s18 =	smov.u32 @p0 s15;
	s15 =	sshrl.u32 s15, $0x3;
	s26 =	sadd.s32 s0, s23  }
0x14: {  	s7 =	sadd.s32 s7, s4;
	s9 =	sshrl.u32 s9, $0x3;
	[dreg:$0xa] =	wrdreg s17  }
0x15: {  	s25 =	sadd.s32 s0, s22;
	s31 =	sadd.s32 s0, s15;
	s16 =	sadd.s32 $0xF1F0, s26  }
0x16: {  	s17 =	sadd.s32 $0x3200, s11;
	s11 =	sadd.s32 $0x25080, s4;
	s19 =	sshrl.u32 s18, $0x3  }
0x17: {  	s18 =	sadd.s32 $0x7C10, s1;
	s21 =	smax.u32 s13, $0x1;
	s22 =	sadd.s32 $0xFFFFFFFE, s10  }
0x18: {  	s26 =	simm.s32 $0x3;
	s9 =	sadd.s32 s9, s1;
	[dreg:$0xb] =	wrdreg s25  }
0x19: {  	[dreg:$0xc] =	wrdreg s31;
	s0 =	sadd.s32 s0, s19;
	s24 =	sshrl.u32 @p2 s11, $0x3  }
0x1a: {  	s25 =	sshrl.u32 @!p2 s7, $0x3;
	s1 =	simm.s32 $0x0;
	s19 =	sadd.s32 $0x8E00, s9  }
0x1b: {  	s20 =	sadd.s32 $0x12C00, s9;
	s23 =	sadd.s32 $0x9C40, s0;
	s0 =	simm.s32 $0x1  }
.LBB2_1:
0x1c: {  	s7 =	rddreg [dreg:$0x9]  }
0x1d: {  	s31 =	sshrl.u32 s7, $0x3  }
0x1e: {  	[spmem:s31], [sflag:s12] =	dma.local [hbm:s6], $0x4F0  }
0x1f: {  	_ =	swait.ge [sflag:s26], $0x4F0  }
0x20: {  	[sflag:s26] =	ssyncset.done $0x0;
	s15 =	rddreg [dreg:$0xa]  }
0x21: {  	[sflag:s26] =	ssyncadd.s32 $0xFFFFFB10;
	s7 =	sshrl.u32 s15, $0x3  }
0x22: {  	[spmem:s7], [sflag:s12] =	dma.local [hbm:s6], $0x4F0  }
0x23: {  	_ =	swait.ge [sflag:s26], $0x4F0  }
0x24: {  	[sflag:s26] =	ssyncset.done $0x0  }
0x25: {  	s8 =	rddreg [dreg:$0x6];
	[sflag:s26] =	ssyncadd.s32 $0xFFFFFB10  }
0x26: {  	[tilespmem:s28], [sflag:$0x3] =	stream.linear.gather [hbm4b:s8+s5], $0x800, $0x38;
	[tilespmem:$0xDF80] =	vst v63  }
0x27: {  	_ =	swait.ge [sflag:s26], $0x800  }
0x28: {  	[sflag:s26] =	ssyncset.done $0x0  }
0x29: {  	s8 =	simm.s32 @p1 $0x0;
	s9 =	rddreg [dreg:$0xb];
	[sflag:s26] =	ssyncadd.s32 $0xFFFFF800  }
0x2a: {  	[tilespmem:s8], [sflag:$0x3] =	stream.linear.gather @p1 [hbm4b:s9+s8], $0x25A0, $0x38;
	[tilespmem:$0xDF80] =	vst v63  }
0x2b: {  	s9 =	simm.s32 @p1 $0x3  }
0x2c: {  	_ =	swait.ge @p1 [sflag:s9], $0x25A0  }
0x2d: {  	[sflag:s9] =	ssyncset.done @p1 $0x0  }
0x2e: {  	s11 =	simm.s32 @p1 $0x25A0;
	s13 =	rddreg [dreg:$0x7];
	[sflag:s9] =	ssyncadd.s32 @p1 $0xFFFFDA60  }
0x2f: {  	[tilespmem:s11], [sflag:$0x3] =	stream.linear.gather @p1 [hbm4b:s13+s8], $0x60, $0x38;
	[tilespmem:$0xDF80] =	vst v63  }
0x30: {  	_ =	swait.ge @p1 [sflag:s9], $0x60  }
0x31: {  	[sflag:s9] =	ssyncset.done @p1 $0x0  }
0x32: {  	s8 =	simm.s32 @!p1 $0x0;
	[sflag:s9] =	ssyncadd.s32 @p1 $0xFFFFFFA0;
	s9 =	rddreg [dreg:$0xc]  }
0x33: {  	[tilespmem:s8], [sflag:$0x3] =	stream.linear.gather @!p1 [hbm4b:s9+s8], $0x2880, $0x38;
	[tilespmem:$0xDF80] =	vst v63  }
0x34: {  	s8 =	simm.s32 @!p1 $0x51  }
0x35: {  	s8 =	simm.s32 @p1 $0x4B  }
0x36: {  	p3 =	sne.s32 s8, $0x1  }
.Ltmp0:
0x37: {  	s9 =	simm.s32 @!p1 $0x3;
	(pc) =	sbr.rel @!p3 .LBB2_3-.Ltmp0, $4  }
0x38: {  	_ =	swait.ge @!p1 [sflag:s9], $0x2880  }
0x39: {  	s13 =	smov.u32 s23;
	[sflag:s9] =	ssyncset.done @!p1 $0x0  }
0x3a: {  	s11 =	sadd.s32 $0xFFFFFFFF, s8;
	[sflag:s9] =	ssyncadd.s32 @!p1 $0xFFFFD780;
	s9 =	simm.s32 $0x2880  }
0x3b: {  	[tilespmem:s9], [sflag:$0x2] =	stream.linear.gather [hbm4b:s23+s5], $0x80, $0x38;
	[tilespmem:$0xDF80] =	vst v63  }
.LBB2_2:
0x3c: {  	p4 =	sne.s32 s11, $0x1  }
.Ltmp1:
0x3d: {  	_ = 	snop;
	(pc) =	sbr.rel @p4 .LBB2_2-.Ltmp1, $4  }
0x3e: {  	_ = 	snop  }
0x3f: {  	s13 =	sadd.s32 $0x10, s13;
	s9 =	sadd.s32 $0x80, s9  }
0x40: {  	s11 =	sadd.s32 $0xFFFFFFFF, s11  }
0x41: {  	[tilespmem:s9], [sflag:$0x2] =	stream.linear.gather [hbm4b:s13+s5], $0x80, $0x38;
	[tilespmem:$0xDF80] =	vst v63  }
.LBB2_3:
0x42: {  	s9 =	simm.s32 @!p0 $0x0;
	s11 =	simm.s32 @!p0 $0x4E00;
	s13 =	rddreg [dreg:$0x8]  }
0x43: {  	[tilespmem:s11], [sflag:$0x3] =	stream.linear.gather @!p0 [hbm4b:s13+s9], $0x80, $0x38;
	[tilespmem:$0xDF80] =	vst v63  }
0x44: {  	s13 =	simm.s32 @!p0 $0x3  }
0x45: {  	_ =	swait.ge @!p0 [sflag:s13], $0x80  }
.Ltmp2:
0x46: {  	[sflag:s13] =	ssyncset.done @!p0 $0x0;
	(pc) =	sbr.rel @!p3 .LBB2_5-.Ltmp2, $4  }
0x47: {  	[sflag:s13] =	ssyncadd.s32 @!p0 $0xFFFFFF80  }
0x48: {  	[tilespmem:s11], [sflag:$0x2] =	stream.linear.gather @!p0 [hbm4b:s16+s9], $0x20, $0x38;
	[tilespmem:$0xDF80] =	vst v63  }
0x49: {  	_ =	swait.ge [sflag:s29], $0x80  }
0x4a: {  	s8 =	sadd.s32 $0xFFFFFFFF, s8;
	[sflag:s29] =	ssyncset.done $0x0  }
.LBB2_4:
0x4b: {  	p3 =	sne.s32 s8, $0x1;
	s8 =	sadd.s32 $0xFFFFFFFF, s8;
	[sflag:s29] =	ssyncadd.s32 $0xFFFFFF80  }
.Ltmp3:
0x4c: {  	(pc) =	sbr.rel @p3 .LBB2_4-.Ltmp3, $3  }
0x4d: {  	_ =	sdelay $0x1  }
0x4e: {  	_ =	swait.ge [sflag:s29], $0x80  }
0x4f: {  	[sflag:s29] =	ssyncset.done $0x0  }
.LBB2_5:
0x50: {  	[sflag:s29] =	ssyncadd.s32 $0xFFFFFF80;
	s8 =	simm.s32 @!p0 $0x2  }
0x51: {  	_ =	swait.ge @!p0 [sflag:s8], $0x20  }
0x52: {  	[sflag:s8] =	ssyncset.done @!p0 $0x0  }
0x53: {  	[sflag:s8] =	ssyncadd.s32 @!p0 $0xFFFFFFE0;
	s8 =	simm.s32 @p2 $0x3  }
0x54: {  	[spmem:s24], [sflag:s12] =	dma.local @p2 [hbm:s18], $0x410  }
0x55: {  	_ =	swait.ge @p2 [sflag:s8], $0x410  }
0x56: {  	[sflag:s8] =	ssyncset.done @p2 $0x0  }
0x57: {  	[sflag:s8] =	ssyncadd.s32 @p2 $0xFFFFFBF0;
	s8 =	simm.s32 @!p2 $0x3  }
0x58: {  	[spmem:s25], [sflag:s12] =	dma.local @!p2 [hbm:s17], $0x4F0  }
0x59: {  	_ =	swait.ge @!p2 [sflag:s8], $0x4F0  }
0x5a: {  	[sflag:s8] =	ssyncset.done @!p2 $0x0  }
0x5b: {  	s13 =	simm.s32 $0x0;
	s14 =	simm.s32 $0x800;
	[sflag:s8] =	ssyncadd.s32 @!p2 $0xFFFFFB10  }
0x5c: {  	s11 =	simm.s32 $0x5100;
	s8 =	sand.u32 $0x800, s14;
	[bflag:$0x0] =	sbarrier.arrive $0xFFFF  }
0x5d: {  	[tilespmem:s11], [sflag:$0x1] =	stream.indirect.gather [spmem:s4], $0x10, s13, s30, $0xb8;
	[tilespmem:$0xDF80] =	vst v63  }
0x5e: {  	s9 =	sor.u32 $0x5100, s8;
	s11 =	simm.s32 $0x80  }
0x5f: {  	[tilespmem:s9], [sflag:$0x1] =	stream.indirect.gather [spmem:s4], $0x10, s11, s30, $0xb8;
	[tilespmem:$0xDF80] =	vst v63  }
0x60: {  	s15 =	simm.s32 $0x0;
	_ =	swait.ge [sflag:s0], $0x800  }
0x61: {  	p3 =	sne.s32 s22, $0x0;
	s8 =	sand.u32 $0x800, s15;
	[sflag:s0] =	ssyncset.done $0x0  }
0x62: {  	s14 =	simm.s32 $0x2880;
	s8 =	sor.u32 $0x5100, s8;
	[sflag:s0] =	ssyncadd.s32 $0xFFFFF800  }
0x63: {  	[spmem:s2] =	stream.indirect.scatter.add.f32 [tilespmem:s8], [sflag:$0x3], $0x10, s14, s30, $0xb8;
	[tilespmem:$0xDF80] =	vst v63  }
.Ltmp4:
0x64: {  	_ = 	snop;
	(pc) =	sbr.rel @!p3 .LBB2_7-.Ltmp4, $4  }
0x65: {  	_ =	swait.ge [sflag:s26], $0x800  }
0x66: {  	[sflag:s26] =	ssyncset.done $0x0  }
0x67: {  	s8 =	simm.s32 $0x1;
	[sflag:s26] =	ssyncadd.s32 $0xFFFFF800  }
0x68: {  	[spmem:s3] =	stream.indirect.scatter.add.f32 [tilespmem:s28], [sflag:$0x3], $0x10, s14, s30, $0xb8;
	[tilespmem:$0xDF80] =	vst v63  }
.LBB2_6:
0x69: {  	s13 =	smov.u32 s8  }
0x6a: {  	p3 =	sne.s32 s8, s22;
	s14 =	smov.u32 s8;
	s8 =	sadd.s32 $0x1, s8  }
0x6b: {  	s9 =	sshll.u32 s8, $0xB;
	_ =	swait.ge [sflag:s26], $0x800  }
0x6c: {  	s11 =	sshll.u32 s8, $0x9;
	s9 =	sand.u32 $0x800, s9;
	[sflag:s26] =	ssyncset.done $0x0  }
0x6d: {  	s11 =	sshra.s32 s11, $0x2;
	s9 =	sor.u32 $0x5100, s9;
	[sflag:s26] =	ssyncadd.s32 $0xFFFFF800  }
0x6e: {  	[tilespmem:s9], [sflag:$0x1] =	stream.indirect.gather [spmem:s4], $0x10, s11, s30, $0xb8;
	[tilespmem:$0xDF80] =	vst v63  }
0x6f: {  	s15 =	sshll.u32 s14, $0xB;
	s14 =	sshll.u32 s14, $0x9;
	_ =	swait.ge [sflag:s0], $0x800  }
0x70: {  	s15 =	sand.u32 $0x800, s15;
	s14 =	sshra.s32 s14, $0x2;
	[sflag:s0] =	ssyncset.done $0x0  }
0x71: {  	s15 =	sor.u32 $0x5100, s15;
	s14 =	sadd.s32 $0x2880, s14;
	[sflag:s0] =	ssyncadd.s32 $0xFFFFF800  }
0x72: {  	[spmem:s2] =	stream.indirect.scatter.add.f32 [tilespmem:s15], [sflag:$0x3], $0x10, s14, s30, $0xb8;
	[tilespmem:$0xDF80] =	vst v63  }
.Ltmp5:
0x73: {  	_ = 	snop;
	(pc) =	sbr.rel @p3 .LBB2_6-.Ltmp5, $4  }
0x74: {  	_ =	swait.ge [sflag:s26], $0x800  }
0x75: {  	[sflag:s26] =	ssyncset.done $0x0  }
0x76: {  	[sflag:s26] =	ssyncadd.s32 $0xFFFFF800  }
0x77: {  	[spmem:s3] =	stream.indirect.scatter.add.f32 [tilespmem:s28], [sflag:$0x3], $0x10, s14, s30, $0xb8;
	[tilespmem:$0xDF80] =	vst v63  }
.LBB2_7:
0x78: {  	s8 =	sadd.s32 $0x2, s13  }
0x79: {  	_ =	swait.ge [sflag:s26], $0x800;
	p3 =	sge.u32 s8, s10  }
0x7a: {  	[sflag:s26] =	ssyncset.done $0x0;
	s13 =	sshll.u32 @!p3 s8, $0xB  }
0x7b: {  	[sflag:s26] =	ssyncadd.s32 $0xFFFFF800;
	s8 =	sshll.u32 @!p3 s8, $0x7;
	s13 =	sand.u32 @!p3 $0x800, s13  }
0x7c: {  	s14 =	simm.s32 @!p3 $0x80;
	s8 =	sand.u32 @!p3 $0x3FFFFF80, s8;
	s13 =	sor.u32 @!p3 $0x5100, s13  }
0x7d: {  	[tilespmem:s13], [sflag:$0x1] =	stream.indirect.gather @!p3 [spmem:s4], $0x10, s8, s14, $0xb8;
	[tilespmem:$0xDF80] =	vst v63  }
0x7e: {  	_ =	swait.ge [sflag:s0], $0x800  }
0x7f: {  	[sflag:s0] =	ssyncset.done $0x0  }
0x80: {  	s15 =	sadd.s32 $0x2880, s11;
	[sflag:s0] =	ssyncadd.s32 $0xFFFFF800  }
0x81: {  	[spmem:s2] =	stream.indirect.scatter.add.f32 [tilespmem:s9], [sflag:$0x3], $0x10, s15, s30, $0xb8;
	[tilespmem:$0xDF80] =	vst v63  }
0x82: {  	_ =	swait.ge [sflag:s26], $0x800  }
0x83: {  	[sflag:s26] =	ssyncset.done $0x0  }
0x84: {  	[sflag:s26] =	ssyncadd.s32 $0xFFFFF800  }
0x85: {  	[spmem:s3] =	stream.indirect.scatter.add.f32 [tilespmem:s28], [sflag:$0x3], $0x10, s15, s30, $0xb8;
	[tilespmem:$0xDF80] =	vst v63  }
0x86: {  	_ =	swait.ge [sflag:s26], $0x800  }
0x87: {  	[sflag:s26] =	ssyncset.done $0x0  }
0x88: {  	[sflag:s26] =	ssyncadd.s32 $0xFFFFF800  }
0x89: {  	[bflag:$0x0] =	sbarrier.arrive $0xFFFF  }
0x8a: {  	[hbm:s19], [sflag:s12] =	dma.local [spmem:s31], $0x4F0  }
0x8b: {  	s1 =	sadd.s32 $0x1, s1;
	_ =	swait.ge [sflag:s26], $0x4F0  }
0x8c: {  	p3 =	sne.s32 s1, s21;
	[sflag:s26] =	ssyncset.done $0x0  }
.Ltmp6:
0x8d: {  	[sflag:s26] =	ssyncadd.s32 $0xFFFFFB10;
	(pc) =	sbr.rel @p3 .LBB2_1-.Ltmp6, $4  }
0x8e: {  	[hbm:s20], [sflag:s12] =	dma.local [spmem:s7], $0x4F0  }
0x8f: {  	_ =	swait.ge [sflag:s26], $0x4F0  }
0x90: {  	[sflag:s26] =	ssyncset.done $0x0  }
0x91: {  	[sflag:s26] =	ssyncadd.s32 $0xFFFFFB10  }
0x92: {  	_ =	sfence.sel $0x180000  }
0x93: {  	[bflag:$0x0] =	sbarrier.arrive $0xFFFF  }
0x94: {  	_ =	strace $0x90000047  }
0x95: {  	s0 =	stileid.u32;
	[bflag:$0x2] =	sbarrier.arrive $0xFFFF  }
0x96: {  	p0 =	sne.s32 s0, $0x0;
	s0 =	rddreg [dreg:$0x5]  }
0x97: {  	s0 =	sadd.s32 @!p0 $0x100000, s0  }
0x98: {  	[sflag:s0] =	ssyncadd.tile.s32 @!p0 $0x1;
	_ =	shalt  }
.Lfunc_end2:
_tile_overlayer_lowered:
.L_overlay_start_2:
0x99: {  	(tag) =	ssettag $0x2  }
0x9a: {  	s0 =	rddreg [dreg:$0x0];
	s2 =	stileid.u32  }
0x9b: {  	s1 =	rddreg [dreg:$0x1];
	p0 =	sne.s32 s2, $0x0  }
0x9c: {  	s3 =	rddreg [dreg:$0x2];
	[bflag:$0x3] =	sbarrier.arrive $0xFFFF;
	s2 =	simm.s32 @!p0 $0x1C03  }
0x9d: {  	[timem:s3], [sflag:s2] =	dma.local @!p0 [hbm:s0], s1  }
0x9e: {  	s0 =	simm.s32 @!p0 $0x3  }
0x9f: {  	_ =	swait.ge @!p0 [sflag:s0], s1  }
0xa0: {  	s1 =	ssub.s32 @!p0 $0x0, s1;
	[sflag:s0] =	ssyncset.done @!p0 $0x0  }
0xa1: {  	[sflag:s0] =	ssyncadd.s32 @!p0 s1  }
0xa2: {  	[bflag:$0x3] =	sbarrier.arrive $0xFFFF  }
0xa3: {  	_ =	shalt  }

</sc_bundles>
